<compile_context>
chip_gen: v7x
topology: tpu7x:2x2x1
jax: 0.10.2.dev20260603
libtpu: 0.0.44.dev20260713+nightly
codegen_flags: <defaults>
</compile_context>

<pallas_src>
import functools

import jax
import jax.numpy as jnp
from jax import lax
from jax.experimental import pallas as pl
from jax.experimental.pallas import tpu as pltpu
from jax.experimental.pallas import tpu_sc as plsc

_D = 128
_CHUNK = 200
_NB = 4


@functools.cache
def _build(B):
    info = plsc.get_sparse_core_info()
    nc, ns = info.num_cores, info.num_subcores
    nw = nc * ns
    b_per_w = B // nw
    n_chunks = b_per_w // _CHUNK
    assert n_chunks * _CHUNK == b_per_w and (n_chunks - _NB) % _NB == 0

    mesh = plsc.VectorSubcoreMesh(core_axis_name="c", subcore_axis_name="s")

    @functools.partial(
        pl.kernel,
        out_type=jax.ShapeDtypeStruct((B, _D), jnp.float32),
        mesh=mesh,
        scratch_types=[
            pltpu.VMEM((b_per_w,), jnp.int32),
            pltpu.VMEM((_NB, _CHUNK, _D), jnp.float32),
        ]
        + [pltpu.SemaphoreType.DMA] * (2 * _NB),
    )
    def gather_kernel(pos_hbm, table_hbm, out_hbm, idx_v, rows_v, *sems):
        gsem, ssem = sems[:_NB], sems[_NB:]
        wid = lax.axis_index("s") * nc + lax.axis_index("c")
        base = wid * b_per_w
        pltpu.sync_copy(pos_hbm.at[pl.ds(wid * b_per_w, b_per_w)], idx_v)

        def fire_gather(g, b):
            pltpu.async_copy(
                table_hbm.at[idx_v.at[pl.ds(g * _CHUNK, _CHUNK)]],
                rows_v.at[b],
                gsem[b],
            )

        def wait_gather(b):
            pltpu.make_async_copy(
                table_hbm.at[idx_v.at[pl.ds(b * _CHUNK, _CHUNK)]],
                rows_v.at[b],
                gsem[b],
            ).wait()

        def fire_store(g, b):
            pltpu.async_copy(
                rows_v.at[b],
                out_hbm.at[pl.ds(base + g * _CHUNK, _CHUNK)],
                ssem[b],
            )

        def wait_store(g, b):
            pltpu.make_async_copy(
                rows_v.at[b],
                out_hbm.at[pl.ds(base + g * _CHUNK, _CHUNK)],
                ssem[b],
            ).wait()

        fire_gather(0, 0)
        fire_gather(1, 1)
        wait_gather(0)
        fire_store(0, 0)
        fire_gather(2, 2)
        wait_gather(1)
        fire_store(1, 1)
        fire_gather(3, 3)

        def quad(t, carry):
            for i in range(_NB):
                g = 2 + _NB * t + i
                b = (2 + i) % _NB
                wait_gather(b)
                fire_store(g, b)
                wait_store(g - 2, (b + 2) % _NB)
                fire_gather(g + 2, (b + 2) % _NB)
            return carry

        lax.fori_loop(0, (n_chunks - _NB) // _NB, quad, 0)

        for g in (n_chunks - 2, n_chunks - 1):
            b = g % _NB
            wait_gather(b)
            fire_store(g, b)
            wait_store(g - 2, (b + 2) % _NB)
        wait_store(n_chunks - 2, (n_chunks - 2) % _NB)
        wait_store(n_chunks - 1, (n_chunks - 1) % _NB)

    return gather_kernel


def kernel(position, table):
    b0, b1 = position.shape
    B = b0 * b1
    pos_flat = position.T.reshape(B).astype(jnp.int32)
    out = _build(B)(pos_flat, table)
    return out.reshape(b1, b0, _D).transpose(1, 0, 2)

# --- scband reference (transcript-rebuilt; emitter-appended) ---
"""Pipeline reference for scband-positional-encoding1-d-54228257080052 (READ-ONLY COPY).

The authoritative reference and input builder live on the scoring server;
editing this copy changes nothing except your own understanding.
"""

import jax, jax.numpy as jnp
import numpy as np

MAX_POSITION = 100000
OUT_CHANNELS = 128
BATCH = 16384
HIST = 50

def setup_inputs(seed: int = 0) -> dict:
    key = jax.random.key(seed)
    k_idx, k_tab = jax.random.split(key)
    position = jax.random.randint(k_idx, (BATCH, HIST), 0, MAX_POSITION, dtype=jnp.int64 if jax.config.jax_enable_x64 else jnp.int32)
    # nn.Embedding default init: N(0, 1)
    table = jax.random.normal(k_tab, (MAX_POSITION, OUT_CHANNELS), dtype=jnp.float32)
    return {"position": position, "table": table}

def reference(position, table):
    # PositionalEncoding1D in 'learn' mode: nn.Embedding lookup
    return jnp.take(table, position, axis=0)

if __name__ == "__main__":
    import jax
    _d = setup_inputs()
    print(jax.jit(kernel)(*tuple(_d.values())))

</pallas_src>

<mosaic_0001>
#map = affine_map<(d0, d1) -> (0)>
#map1 = affine_map<(d0, d1) -> (0, 0)>
module attributes {stable_mosaic.version = 14 : i64} {
  func.func @gather_kernel(%arg0: i32, %arg1: i32, %arg2: memref<819200xi32, #tpu.memory_space<hbm>>, %arg3: memref<100000x128xf32, #tpu.memory_space<hbm>>, %arg4: memref<819200x128xf32, #tpu.memory_space<hbm>>, %arg5: memref<25600xi32, #tpu.memory_space<vmem>>, %arg6: memref<4x200x128xf32, #tpu.memory_space<vmem>>, %arg7: memref<!tpu.dma_semaphore, #tpu.memory_space<semaphore_mem>>, %arg8: memref<!tpu.dma_semaphore, #tpu.memory_space<semaphore_mem>>, %arg9: memref<!tpu.dma_semaphore, #tpu.memory_space<semaphore_mem>>, %arg10: memref<!tpu.dma_semaphore, #tpu.memory_space<semaphore_mem>>, %arg11: memref<!tpu.dma_semaphore, #tpu.memory_space<semaphore_mem>>, %arg12: memref<!tpu.dma_semaphore, #tpu.memory_space<semaphore_mem>>, %arg13: memref<!tpu.dma_semaphore, #tpu.memory_space<semaphore_mem>>, %arg14: memref<!tpu.dma_semaphore, #tpu.memory_space<semaphore_mem>>) attributes {dimension_semantics = [#tpu.dimension_semantics<core_parallel>, #tpu.dimension_semantics<subcore_parallel>], iteration_bounds = array<i64: 2, 16>, scalar_prefetch = 0 : i64, scratch_operands = 10 : i64, tpu.core_type = #tpu.core_type<sc_vector_subcore>, window_params = [{transform_indices = #map}, {transform_indices = #map1}, {transform_indices = #map1}]} {
    %mul3A = arith.constant 2 : i32
    %mul3A_0 = arith.muli %arg1, %mul3A : i32
    %add3A = arith.addi %mul3A_0, %arg0 : i32
    %mul3A_1 = arith.constant 25600 : i32
    %mul3A_2 = arith.muli %add3A, %mul3A_1 : i32
    %mul3A_3 = arith.constant 25600 : i32
    %mul3A_4 = arith.muli %add3A, %mul3A_3 : i32
    "tpu.region"() ({
      %run_scoped3A = tpu.sem_alloc : memref<!tpu.dma_semaphore, #tpu.memory_space<semaphore_mem>>
      %dma_start3A_208 = tpu.memref_slice %arg2[%mul3A_4] : memref<819200xi32, #tpu.memory_space<hbm>> -> memref<25600xi32, #tpu.memory_space<hbm>>
      %dma_start3A_209 = tpu.memref_slice %arg2[%mul3A_4] : memref<819200xi32, #tpu.memory_space<hbm>> -> memref<25600xi32, #tpu.memory_space<hbm>>
      tpu.enqueue_dma source(%dma_start3A_209 : memref<25600xi32, #tpu.memory_space<hbm>>) target(%arg5 : memref<25600xi32, #tpu.memory_space<vmem>>) target_semaphore(%run_scoped3A : memref<!tpu.dma_semaphore, #tpu.memory_space<semaphore_mem>>)
      %dma_wait3A_210 = tpu.memref_slice %arg2[%mul3A_4] : memref<819200xi32, #tpu.memory_space<hbm>> -> memref<25600xi32, #tpu.memory_space<hbm>>
      %dma_wait3A_211 = tpu.memref_slice %arg2[%mul3A_4] : memref<819200xi32, #tpu.memory_space<hbm>> -> memref<25600xi32, #tpu.memory_space<hbm>>
      tpu.wait_dma2 semaphore(%run_scoped3A : memref<!tpu.dma_semaphore, #tpu.memory_space<semaphore_mem>>) src(%dma_wait3A_211 : memref<25600xi32, #tpu.memory_space<hbm>>) dst(%arg5 : memref<25600xi32, #tpu.memory_space<vmem>>)
      tpu.yield
    }) : () -> ()
    %dma_start3A = arith.constant 0 : i32
    %dma_start3A_5 = arith.constant 0 : i32
    %dma_start3A_6 = arith.constant 0 : i32
    %dma_start3A_7 = tpu.memref_slice %arg6[%dma_start3A, %dma_start3A_5, %dma_start3A_6] : memref<4x200x128xf32, #tpu.memory_space<vmem>> -> memref<1x200x128xf32, #tpu.memory_space<vmem>>
    %dma_start3A_8 = tpu.memref_squeeze %dma_start3A_7 : memref<1x200x128xf32, #tpu.memory_space<vmem>> -> memref<200x128xf32, #tpu.memory_space<vmem>>
    %dma_start3A_9 = arith.constant 0 : i32
    %dma_start3A_10 = tpu.memref_slice %arg5[%dma_start3A_9] : memref<25600xi32, #tpu.memory_space<vmem>> -> memref<200xi32, #tpu.memory_space<vmem>>
    %dma_start3A_11 = arith.constant 0 : i32
    %dma_start3A_12 = arith.constant 0 : i32
    %dma_start3A_13 = tpu.memref_slice %arg3[%dma_start3A_11, %dma_start3A_12] : memref<100000x128xf32, #tpu.memory_space<hbm>> -> memref<100000x128xf32, #tpu.memory_space<hbm>>
    tpu.enqueue_indirect_dma source(%dma_start3A_13 : memref<100000x128xf32, #tpu.memory_space<hbm>>) target(%dma_start3A_8 : memref<200x128xf32, #tpu.memory_space<vmem>>) offsets(%dma_start3A_10 : memref<200xi32, #tpu.memory_space<vmem>>) semaphore(%arg7 : memref<!tpu.dma_semaphore, #tpu.memory_space<semaphore_mem>>)
    %dma_start3A_14 = arith.constant 1 : i32
    %dma_start3A_15 = arith.constant 0 : i32
    %dma_start3A_16 = arith.constant 0 : i32
    %dma_start3A_17 = tpu.memref_slice %arg6[%dma_start3A_14, %dma_start3A_15, %dma_start3A_16] : memref<4x200x128xf32, #tpu.memory_space<vmem>> -> memref<1x200x128xf32, #tpu.memory_space<vmem>>
    %dma_start3A_18 = tpu.memref_squeeze %dma_start3A_17 : memref<1x200x128xf32, #tpu.memory_space<vmem>> -> memref<200x128xf32, #tpu.memory_space<vmem>>
    %dma_start3A_19 = arith.constant 200 : i32
    %dma_start3A_20 = tpu.memref_slice %arg5[%dma_start3A_19] : memref<25600xi32, #tpu.memory_space<vmem>> -> memref<200xi32, #tpu.memory_space<vmem>>
    %dma_start3A_21 = arith.constant 0 : i32
    %dma_start3A_22 = arith.constant 0 : i32
    %dma_start3A_23 = tpu.memref_slice %arg3[%dma_start3A_21, %dma_start3A_22] : memref<100000x128xf32, #tpu.memory_space<hbm>> -> memref<100000x128xf32, #tpu.memory_space<hbm>>
    tpu.enqueue_indirect_dma source(%dma_start3A_23 : memref<100000x128xf32, #tpu.memory_space<hbm>>) target(%dma_start3A_18 : memref<200x128xf32, #tpu.memory_space<vmem>>) offsets(%dma_start3A_20 : memref<200xi32, #tpu.memory_space<vmem>>) semaphore(%arg8 : memref<!tpu.dma_semaphore, #tpu.memory_space<semaphore_mem>>)
    %dma_wait3A = arith.constant 0 : i32
    %dma_wait3A_24 = arith.constant 0 : i32
    %dma_wait3A_25 = arith.constant 0 : i32
    %dma_wait3A_26 = tpu.memref_slice %arg6[%dma_wait3A, %dma_wait3A_24, %dma_wait3A_25] : memref<4x200x128xf32, #tpu.memory_space<vmem>> -> memref<1x200x128xf32, #tpu.memory_space<vmem>>
    %dma_wait3A_27 = tpu.memref_squeeze %dma_wait3A_26 : memref<1x200x128xf32, #tpu.memory_space<vmem>> -> memref<200x128xf32, #tpu.memory_space<vmem>>
    %dma_wait3A_28 = arith.constant 0 : i32
    %dma_wait3A_29 = tpu.memref_slice %arg5[%dma_wait3A_28] : memref<25600xi32, #tpu.memory_space<vmem>> -> memref<200xi32, #tpu.memory_space<vmem>>
    %dma_wait3A_30 = arith.constant 0 : i32
    %dma_wait3A_31 = arith.constant 0 : i32
    %dma_wait3A_32 = tpu.memref_slice %arg3[%dma_wait3A_30, %dma_wait3A_31] : memref<100000x128xf32, #tpu.memory_space<hbm>> -> memref<100000x128xf32, #tpu.memory_space<hbm>>
    tpu.wait_indirect_dma semaphore(%arg7 : memref<!tpu.dma_semaphore, #tpu.memory_space<semaphore_mem>>) src(%dma_wait3A_32 : memref<100000x128xf32, #tpu.memory_space<hbm>>) dst(%dma_wait3A_27 : memref<200x128xf32, #tpu.memory_space<vmem>>)
    %add3A_33 = arith.constant 0 : i32
    %add3A_34 = arith.addi %mul3A_2, %add3A_33 : i32
    %dma_start3A_35 = arith.constant 0 : i32
    %dma_start3A_36 = arith.constant 0 : i32
    %dma_start3A_37 = arith.constant 0 : i32
    %dma_start3A_38 = tpu.memref_slice %arg6[%dma_start3A_35, %dma_start3A_36, %dma_start3A_37] : memref<4x200x128xf32, #tpu.memory_space<vmem>> -> memref<1x200x128xf32, #tpu.memory_space<vmem>>
    %dma_start3A_39 = tpu.memref_squeeze %dma_start3A_38 : memref<1x200x128xf32, #tpu.memory_space<vmem>> -> memref<200x128xf32, #tpu.memory_space<vmem>>
    %dma_start3A_40 = arith.constant 0 : i32
    %dma_start3A_41 = tpu.memref_slice %arg4[%add3A_34, %dma_start3A_40] : memref<819200x128xf32, #tpu.memory_space<hbm>> -> memref<200x128xf32, #tpu.memory_space<hbm>>
    %dma_start3A_42 = arith.constant 0 : i32
    %dma_start3A_43 = tpu.memref_slice %arg4[%add3A_34, %dma_start3A_42] : memref<819200x128xf32, #tpu.memory_space<hbm>> -> memref<200x128xf32, #tpu.memory_space<hbm>>
    %dma_start3A_44 = arith.constant 0 : i32
    %dma_start3A_45 = arith.constant 0 : i32
    %dma_start3A_46 = tpu.memref_slice %arg6[%dma_start3A_35, %dma_start3A_44, %dma_start3A_45] : memref<4x200x128xf32, #tpu.memory_space<vmem>> -> memref<1x200x128xf32, #tpu.memory_space<vmem>>
    %dma_start3A_47 = tpu.memref_squeeze %dma_start3A_46 : memref<1x200x128xf32, #tpu.memory_space<vmem>> -> memref<200x128xf32, #tpu.memory_space<vmem>>
    tpu.enqueue_dma source(%dma_start3A_47 : memref<200x128xf32, #tpu.memory_space<vmem>>) target(%dma_start3A_43 : memref<200x128xf32, #tpu.memory_space<hbm>>) target_semaphore(%arg11 : memref<!tpu.dma_semaphore, #tpu.memory_space<semaphore_mem>>)
    %dma_start3A_48 = arith.constant 2 : i32
    %dma_start3A_49 = arith.constant 0 : i32
    %dma_start3A_50 = arith.constant 0 : i32
    %dma_start3A_51 = tpu.memref_slice %arg6[%dma_start3A_48, %dma_start3A_49, %dma_start3A_50] : memref<4x200x128xf32, #tpu.memory_space<vmem>> -> memref<1x200x128xf32, #tpu.memory_space<vmem>>
    %dma_start3A_52 = tpu.memref_squeeze %dma_start3A_51 : memref<1x200x128xf32, #tpu.memory_space<vmem>> -> memref<200x128xf32, #tpu.memory_space<vmem>>
    %dma_start3A_53 = arith.constant 400 : i32
    %dma_start3A_54 = tpu.memref_slice %arg5[%dma_start3A_53] : memref<25600xi32, #tpu.memory_space<vmem>> -> memref<200xi32, #tpu.memory_space<vmem>>
    %dma_start3A_55 = arith.constant 0 : i32
    %dma_start3A_56 = arith.constant 0 : i32
    %dma_start3A_57 = tpu.memref_slice %arg3[%dma_start3A_55, %dma_start3A_56] : memref<100000x128xf32, #tpu.memory_space<hbm>> -> memref<100000x128xf32, #tpu.memory_space<hbm>>
    tpu.enqueue_indirect_dma source(%dma_start3A_57 : memref<100000x128xf32, #tpu.memory_space<hbm>>) target(%dma_start3A_52 : memref<200x128xf32, #tpu.memory_space<vmem>>) offsets(%dma_start3A_54 : memref<200xi32, #tpu.memory_space<vmem>>) semaphore(%arg9 : memref<!tpu.dma_semaphore, #tpu.memory_space<semaphore_mem>>)
    %dma_wait3A_58 = arith.constant 1 : i32
    %dma_wait3A_59 = arith.constant 0 : i32
    %dma_wait3A_60 = arith.constant 0 : i32
    %dma_wait3A_61 = tpu.memref_slice %arg6[%dma_wait3A_58, %dma_wait3A_59, %dma_wait3A_60] : memref<4x200x128xf32, #tpu.memory_space<vmem>> -> memref<1x200x128xf32, #tpu.memory_space<vmem>>
    %dma_wait3A_62 = tpu.memref_squeeze %dma_wait3A_61 : memref<1x200x128xf32, #tpu.memory_space<vmem>> -> memref<200x128xf32, #tpu.memory_space<vmem>>
    %dma_wait3A_63 = arith.constant 200 : i32
    %dma_wait3A_64 = tpu.memref_slice %arg5[%dma_wait3A_63] : memref<25600xi32, #tpu.memory_space<vmem>> -> memref<200xi32, #tpu.memory_space<vmem>>
    %dma_wait3A_65 = arith.constant 0 : i32
    %dma_wait3A_66 = arith.constant 0 : i32
    %dma_wait3A_67 = tpu.memref_slice %arg3[%dma_wait3A_65, %dma_wait3A_66] : memref<100000x128xf32, #tpu.memory_space<hbm>> -> memref<100000x128xf32, #tpu.memory_space<hbm>>
    tpu.wait_indirect_dma semaphore(%arg8 : memref<!tpu.dma_semaphore, #tpu.memory_space<semaphore_mem>>) src(%dma_wait3A_67 : memref<100000x128xf32, #tpu.memory_space<hbm>>) dst(%dma_wait3A_62 : memref<200x128xf32, #tpu.memory_space<vmem>>)
    %add3A_68 = arith.constant 200 : i32
    %add3A_69 = arith.addi %mul3A_2, %add3A_68 : i32
    %dma_start3A_70 = arith.constant 1 : i32
    %dma_start3A_71 = arith.constant 0 : i32
    %dma_start3A_72 = arith.constant 0 : i32
    %dma_start3A_73 = tpu.memref_slice %arg6[%dma_start3A_70, %dma_start3A_71, %dma_start3A_72] : memref<4x200x128xf32, #tpu.memory_space<vmem>> -> memref<1x200x128xf32, #tpu.memory_space<vmem>>
    %dma_start3A_74 = tpu.memref_squeeze %dma_start3A_73 : memref<1x200x128xf32, #tpu.memory_space<vmem>> -> memref<200x128xf32, #tpu.memory_space<vmem>>
    %dma_start3A_75 = arith.constant 0 : i32
    %dma_start3A_76 = tpu.memref_slice %arg4[%add3A_69, %dma_start3A_75] : memref<819200x128xf32, #tpu.memory_space<hbm>> -> memref<200x128xf32, #tpu.memory_space<hbm>>
    %dma_start3A_77 = arith.constant 0 : i32
    %dma_start3A_78 = tpu.memref_slice %arg4[%add3A_69, %dma_start3A_77] : memref<819200x128xf32, #tpu.memory_space<hbm>> -> memref<200x128xf32, #tpu.memory_space<hbm>>
    %dma_start3A_79 = arith.constant 0 : i32
    %dma_start3A_80 = arith.constant 0 : i32
    %dma_start3A_81 = tpu.memref_slice %arg6[%dma_start3A_70, %dma_start3A_79, %dma_start3A_80] : memref<4x200x128xf32, #tpu.memory_space<vmem>> -> memref<1x200x128xf32, #tpu.memory_space<vmem>>
    %dma_start3A_82 = tpu.memref_squeeze %dma_start3A_81 : memref<1x200x128xf32, #tpu.memory_space<vmem>> -> memref<200x128xf32, #tpu.memory_space<vmem>>
    tpu.enqueue_dma source(%dma_start3A_82 : memref<200x128xf32, #tpu.memory_space<vmem>>) target(%dma_start3A_78 : memref<200x128xf32, #tpu.memory_space<hbm>>) target_semaphore(%arg12 : memref<!tpu.dma_semaphore, #tpu.memory_space<semaphore_mem>>)
    %dma_start3A_83 = arith.constant 3 : i32
    %dma_start3A_84 = arith.constant 0 : i32
    %dma_start3A_85 = arith.constant 0 : i32
    %dma_start3A_86 = tpu.memref_slice %arg6[%dma_start3A_83, %dma_start3A_84, %dma_start3A_85] : memref<4x200x128xf32, #tpu.memory_space<vmem>> -> memref<1x200x128xf32, #tpu.memory_space<vmem>>
    %dma_start3A_87 = tpu.memref_squeeze %dma_start3A_86 : memref<1x200x128xf32, #tpu.memory_space<vmem>> -> memref<200x128xf32, #tpu.memory_space<vmem>>
    %dma_start3A_88 = arith.constant 600 : i32
    %dma_start3A_89 = tpu.memref_slice %arg5[%dma_start3A_88] : memref<25600xi32, #tpu.memory_space<vmem>> -> memref<200xi32, #tpu.memory_space<vmem>>
    %dma_start3A_90 = arith.constant 0 : i32
    %dma_start3A_91 = arith.constant 0 : i32
    %dma_start3A_92 = tpu.memref_slice %arg3[%dma_start3A_90, %dma_start3A_91] : memref<100000x128xf32, #tpu.memory_space<hbm>> -> memref<100000x128xf32, #tpu.memory_space<hbm>>
    tpu.enqueue_indirect_dma source(%dma_start3A_92 : memref<100000x128xf32, #tpu.memory_space<hbm>>) target(%dma_start3A_87 : memref<200x128xf32, #tpu.memory_space<vmem>>) offsets(%dma_start3A_89 : memref<200xi32, #tpu.memory_space<vmem>>) semaphore(%arg10 : memref<!tpu.dma_semaphore, #tpu.memory_space<semaphore_mem>>)
    %scan3A = arith.constant 0 : i32
    %scan3A_93 = arith.constant 0 : i32
    %scan3A_94 = arith.constant 31 : i32
    %scan3A_95 = arith.addi %scan3A_93, %scan3A_94 : i32
    %scan3A_96 = arith.constant 1 : i32
    scf.for %scan3A_208 = %scan3A_93 to %scan3A_95 step %scan3A_96  : i32 {
      %mul3A_209 = arith.constant 4 : i32
      %mul3A_210 = arith.muli %mul3A_209, %scan3A_208 : i32
      %add3A_211 = arith.constant 2 : i32
      %add3A_212 = arith.addi %add3A_211, %mul3A_210 : i32
      %add3A_213 = arith.constant 0 : i32
      %add3A_214 = arith.addi %add3A_212, %add3A_213 : i32
      %dma_wait3A_215 = arith.constant 2 : i32
      %dma_wait3A_216 = arith.constant 0 : i32
      %dma_wait3A_217 = arith.constant 0 : i32
      %dma_wait3A_218 = tpu.memref_slice %arg6[%dma_wait3A_215, %dma_wait3A_216, %dma_wait3A_217] : memref<4x200x128xf32, #tpu.memory_space<vmem>> -> memref<1x200x128xf32, #tpu.memory_space<vmem>>
      %dma_wait3A_219 = tpu.memref_squeeze %dma_wait3A_218 : memref<1x200x128xf32, #tpu.memory_space<vmem>> -> memref<200x128xf32, #tpu.memory_space<vmem>>
      %dma_wait3A_220 = arith.constant 400 : i32
      %dma_wait3A_221 = tpu.memref_slice %arg5[%dma_wait3A_220] : memref<25600xi32, #tpu.memory_space<vmem>> -> memref<200xi32, #tpu.memory_space<vmem>>
      %dma_wait3A_222 = arith.constant 0 : i32
      %dma_wait3A_223 = arith.constant 0 : i32
      %dma_wait3A_224 = tpu.memref_slice %arg3[%dma_wait3A_222, %dma_wait3A_223] : memref<100000x128xf32, #tpu.memory_space<hbm>> -> memref<100000x128xf32, #tpu.memory_space<hbm>>
      tpu.wait_indirect_dma semaphore(%arg9 : memref<!tpu.dma_semaphore, #tpu.memory_space<semaphore_mem>>) src(%dma_wait3A_224 : memref<100000x128xf32, #tpu.memory_space<hbm>>) dst(%dma_wait3A_219 : memref<200x128xf32, #tpu.memory_space<vmem>>)
      %mul3A_225 = arith.constant 200 : i32
      %mul3A_226 = arith.muli %add3A_214, %mul3A_225 : i32
      %add3A_227 = arith.addi %mul3A_2, %mul3A_226 : i32
      %dma_start3A_228 = arith.constant 2 : i32
      %dma_start3A_229 = arith.constant 0 : i32
      %dma_start3A_230 = arith.constant 0 : i32
      %dma_start3A_231 = tpu.memref_slice %arg6[%dma_start3A_228, %dma_start3A_229, %dma_start3A_230] : memref<4x200x128xf32, #tpu.memory_space<vmem>> -> memref<1x200x128xf32, #tpu.memory_space<vmem>>
      %dma_start3A_232 = tpu.memref_squeeze %dma_start3A_231 : memref<1x200x128xf32, #tpu.memory_space<vmem>> -> memref<200x128xf32, #tpu.memory_space<vmem>>
      %dma_start3A_233 = arith.constant 0 : i32
      %dma_start3A_234 = tpu.memref_slice %arg4[%add3A_227, %dma_start3A_233] : memref<819200x128xf32, #tpu.memory_space<hbm>> -> memref<200x128xf32, #tpu.memory_space<hbm>>
      %dma_start3A_235 = arith.constant 0 : i32
      %dma_start3A_236 = tpu.memref_slice %arg4[%add3A_227, %dma_start3A_235] : memref<819200x128xf32, #tpu.memory_space<hbm>> -> memref<200x128xf32, #tpu.memory_space<hbm>>
      %dma_start3A_237 = arith.constant 0 : i32
      %dma_start3A_238 = arith.constant 0 : i32
      %dma_start3A_239 = tpu.memref_slice %arg6[%dma_start3A_228, %dma_start3A_237, %dma_start3A_238] : memref<4x200x128xf32, #tpu.memory_space<vmem>> -> memref<1x200x128xf32, #tpu.memory_space<vmem>>
      %dma_start3A_240 = tpu.memref_squeeze %dma_start3A_239 : memref<1x200x128xf32, #tpu.memory_space<vmem>> -> memref<200x128xf32, #tpu.memory_space<vmem>>
      tpu.enqueue_dma source(%dma_start3A_240 : memref<200x128xf32, #tpu.memory_space<vmem>>) target(%dma_start3A_236 : memref<200x128xf32, #tpu.memory_space<hbm>>) target_semaphore(%arg13 : memref<!tpu.dma_semaphore, #tpu.memory_space<semaphore_mem>>)
      %sub3A = arith.constant 2 : i32
      %sub3A_241 = arith.subi %add3A_214, %sub3A : i32
      %mul3A_242 = arith.constant 200 : i32
      %mul3A_243 = arith.muli %sub3A_241, %mul3A_242 : i32
      %add3A_244 = arith.addi %mul3A_2, %mul3A_243 : i32
      %dma_wait3A_245 = arith.constant 0 : i32
      %dma_wait3A_246 = arith.constant 0 : i32
      %dma_wait3A_247 = arith.constant 0 : i32
      %dma_wait3A_248 = tpu.memref_slice %arg6[%dma_wait3A_245, %dma_wait3A_246, %dma_wait3A_247] : memref<4x200x128xf32, #tpu.memory_space<vmem>> -> memref<1x200x128xf32, #tpu.memory_space<vmem>>
      %dma_wait3A_249 = tpu.memref_squeeze %dma_wait3A_248 : memref<1x200x128xf32, #tpu.memory_space<vmem>> -> memref<200x128xf32, #tpu.memory_space<vmem>>
      %dma_wait3A_250 = arith.constant 0 : i32
      %dma_wait3A_251 = tpu.memref_slice %arg4[%add3A_244, %dma_wait3A_250] : memref<819200x128xf32, #tpu.memory_space<hbm>> -> memref<200x128xf32, #tpu.memory_space<hbm>>
      %dma_wait3A_252 = arith.constant 0 : i32
      %dma_wait3A_253 = tpu.memref_slice %arg4[%add3A_244, %dma_wait3A_252] : memref<819200x128xf32, #tpu.memory_space<hbm>> -> memref<200x128xf32, #tpu.memory_space<hbm>>
      %dma_wait3A_254 = arith.constant 0 : i32
      %dma_wait3A_255 = arith.constant 0 : i32
      %dma_wait3A_256 = tpu.memref_slice %arg6[%dma_wait3A_245, %dma_wait3A_254, %dma_wait3A_255] : memref<4x200x128xf32, #tpu.memory_space<vmem>> -> memref<1x200x128xf32, #tpu.memory_space<vmem>>
      %dma_wait3A_257 = tpu.memref_squeeze %dma_wait3A_256 : memref<1x200x128xf32, #tpu.memory_space<vmem>> -> memref<200x128xf32, #tpu.memory_space<vmem>>
      tpu.wait_dma2 semaphore(%arg11 : memref<!tpu.dma_semaphore, #tpu.memory_space<semaphore_mem>>) src(%dma_wait3A_257 : memref<200x128xf32, #tpu.memory_space<vmem>>) dst(%dma_wait3A_253 : memref<200x128xf32, #tpu.memory_space<hbm>>)
      %add3A_258 = arith.constant 2 : i32
      %add3A_259 = arith.addi %add3A_214, %add3A_258 : i32
      %mul3A_260 = arith.constant 200 : i32
      %mul3A_261 = arith.muli %add3A_259, %mul3A_260 : i32
      %dma_start3A_262 = arith.constant 0 : i32
      %dma_start3A_263 = arith.constant 0 : i32
      %dma_start3A_264 = arith.constant 0 : i32
      %dma_start3A_265 = tpu.memref_slice %arg6[%dma_start3A_262, %dma_start3A_263, %dma_start3A_264] : memref<4x200x128xf32, #tpu.memory_space<vmem>> -> memref<1x200x128xf32, #tpu.memory_space<vmem>>
      %dma_start3A_266 = tpu.memref_squeeze %dma_start3A_265 : memref<1x200x128xf32, #tpu.memory_space<vmem>> -> memref<200x128xf32, #tpu.memory_space<vmem>>
      %dma_start3A_267 = tpu.memref_slice %arg5[%mul3A_261] : memref<25600xi32, #tpu.memory_space<vmem>> -> memref<200xi32, #tpu.memory_space<vmem>>
      %dma_start3A_268 = arith.constant 0 : i32
      %dma_start3A_269 = arith.constant 0 : i32
      %dma_start3A_270 = tpu.memref_slice %arg3[%dma_start3A_268, %dma_start3A_269] : memref<100000x128xf32, #tpu.memory_space<hbm>> -> memref<100000x128xf32, #tpu.memory_space<hbm>>
      tpu.enqueue_indirect_dma source(%dma_start3A_270 : memref<100000x128xf32, #tpu.memory_space<hbm>>) target(%dma_start3A_266 : memref<200x128xf32, #tpu.memory_space<vmem>>) offsets(%dma_start3A_267 : memref<200xi32, #tpu.memory_space<vmem>>) semaphore(%arg7 : memref<!tpu.dma_semaphore, #tpu.memory_space<semaphore_mem>>)
      %mul3A_271 = arith.constant 4 : i32
      %mul3A_272 = arith.muli %mul3A_271, %scan3A_208 : i32
      %add3A_273 = arith.constant 2 : i32
      %add3A_274 = arith.addi %add3A_273, %mul3A_272 : i32
      %add3A_275 = arith.constant 1 : i32
      %add3A_276 = arith.addi %add3A_274, %add3A_275 : i32
      %dma_wait3A_277 = arith.constant 3 : i32
      %dma_wait3A_278 = arith.constant 0 : i32
      %dma_wait3A_279 = arith.constant 0 : i32
      %dma_wait3A_280 = tpu.memref_slice %arg6[%dma_wait3A_277, %dma_wait3A_278, %dma_wait3A_279] : memref<4x200x128xf32, #tpu.memory_space<vmem>> -> memref<1x200x128xf32, #tpu.memory_space<vmem>>
      %dma_wait3A_281 = tpu.memref_squeeze %dma_wait3A_280 : memref<1x200x128xf32, #tpu.memory_space<vmem>> -> memref<200x128xf32, #tpu.memory_space<vmem>>
      %dma_wait3A_282 = arith.constant 600 : i32
      %dma_wait3A_283 = tpu.memref_slice %arg5[%dma_wait3A_282] : memref<25600xi32, #tpu.memory_space<vmem>> -> memref<200xi32, #tpu.memory_space<vmem>>
      %dma_wait3A_284 = arith.constant 0 : i32
      %dma_wait3A_285 = arith.constant 0 : i32
      %dma_wait3A_286 = tpu.memref_slice %arg3[%dma_wait3A_284, %dma_wait3A_285] : memref<100000x128xf32, #tpu.memory_space<hbm>> -> memref<100000x128xf32, #tpu.memory_space<hbm>>
      tpu.wait_indirect_dma semaphore(%arg10 : memref<!tpu.dma_semaphore, #tpu.memory_space<semaphore_mem>>) src(%dma_wait3A_286 : memref<100000x128xf32, #tpu.memory_space<hbm>>) dst(%dma_wait3A_281 : memref<200x128xf32, #tpu.memory_space<vmem>>)
      %mul3A_287 = arith.constant 200 : i32
      %mul3A_288 = arith.muli %add3A_276, %mul3A_287 : i32
      %add3A_289 = arith.addi %mul3A_2, %mul3A_288 : i32
      %dma_start3A_290 = arith.constant 3 : i32
      %dma_start3A_291 = arith.constant 0 : i32
      %dma_start3A_292 = arith.constant 0 : i32
      %dma_start3A_293 = tpu.memref_slice %arg6[%dma_start3A_290, %dma_start3A_291, %dma_start3A_292] : memref<4x200x128xf32, #tpu.memory_space<vmem>> -> memref<1x200x128xf32, #tpu.memory_space<vmem>>
      %dma_start3A_294 = tpu.memref_squeeze %dma_start3A_293 : memref<1x200x128xf32, #tpu.memory_space<vmem>> -> memref<200x128xf32, #tpu.memory_space<vmem>>
      %dma_start3A_295 = arith.constant 0 : i32
      %dma_start3A_296 = tpu.memref_slice %arg4[%add3A_289, %dma_start3A_295] : memref<819200x128xf32, #tpu.memory_space<hbm>> -> memref<200x128xf32, #tpu.memory_space<hbm>>
      %dma_start3A_297 = arith.constant 0 : i32
      %dma_start3A_298 = tpu.memref_slice %arg4[%add3A_289, %dma_start3A_297] : memref<819200x128xf32, #tpu.memory_space<hbm>> -> memref<200x128xf32, #tpu.memory_space<hbm>>
      %dma_start3A_299 = arith.constant 0 : i32
      %dma_start3A_300 = arith.constant 0 : i32
      %dma_start3A_301 = tpu.memref_slice %arg6[%dma_start3A_290, %dma_start3A_299, %dma_start3A_300] : memref<4x200x128xf32, #tpu.memory_space<vmem>> -> memref<1x200x128xf32, #tpu.memory_space<vmem>>
      %dma_start3A_302 = tpu.memref_squeeze %dma_start3A_301 : memref<1x200x128xf32, #tpu.memory_space<vmem>> -> memref<200x128xf32, #tpu.memory_space<vmem>>
      tpu.enqueue_dma source(%dma_start3A_302 : memref<200x128xf32, #tpu.memory_space<vmem>>) target(%dma_start3A_298 : memref<200x128xf32, #tpu.memory_space<hbm>>) target_semaphore(%arg14 : memref<!tpu.dma_semaphore, #tpu.memory_space<semaphore_mem>>)
      %sub3A_303 = arith.constant 2 : i32
      %sub3A_304 = arith.subi %add3A_276, %sub3A_303 : i32
      %mul3A_305 = arith.constant 200 : i32
      %mul3A_306 = arith.muli %sub3A_304, %mul3A_305 : i32
      %add3A_307 = arith.addi %mul3A_2, %mul3A_306 : i32
      %dma_wait3A_308 = arith.constant 1 : i32
      %dma_wait3A_309 = arith.constant 0 : i32
      %dma_wait3A_310 = arith.constant 0 : i32
      %dma_wait3A_311 = tpu.memref_slice %arg6[%dma_wait3A_308, %dma_wait3A_309, %dma_wait3A_310] : memref<4x200x128xf32, #tpu.memory_space<vmem>> -> memref<1x200x128xf32, #tpu.memory_space<vmem>>
      %dma_wait3A_312 = tpu.memref_squeeze %dma_wait3A_311 : memref<1x200x128xf32, #tpu.memory_space<vmem>> -> memref<200x128xf32, #tpu.memory_space<vmem>>
      %dma_wait3A_313 = arith.constant 0 : i32
      %dma_wait3A_314 = tpu.memref_slice %arg4[%add3A_307, %dma_wait3A_313] : memref<819200x128xf32, #tpu.memory_space<hbm>> -> memref<200x128xf32, #tpu.memory_space<hbm>>
      %dma_wait3A_315 = arith.constant 0 : i32
      %dma_wait3A_316 = tpu.memref_slice %arg4[%add3A_307, %dma_wait3A_315] : memref<819200x128xf32, #tpu.memory_space<hbm>> -> memref<200x128xf32, #tpu.memory_space<hbm>>
      %dma_wait3A_317 = arith.constant 0 : i32
      %dma_wait3A_318 = arith.constant 0 : i32
      %dma_wait3A_319 = tpu.memref_slice %arg6[%dma_wait3A_308, %dma_wait3A_317, %dma_wait3A_318] : memref<4x200x128xf32, #tpu.memory_space<vmem>> -> memref<1x200x128xf32, #tpu.memory_space<vmem>>
      %dma_wait3A_320 = tpu.memref_squeeze %dma_wait3A_319 : memref<1x200x128xf32, #tpu.memory_space<vmem>> -> memref<200x128xf32, #tpu.memory_space<vmem>>
      tpu.wait_dma2 semaphore(%arg12 : memref<!tpu.dma_semaphore, #tpu.memory_space<semaphore_mem>>) src(%dma_wait3A_320 : memref<200x128xf32, #tpu.memory_space<vmem>>) dst(%dma_wait3A_316 : memref<200x128xf32, #tpu.memory_space<hbm>>)
      %add3A_321 = arith.constant 2 : i32
      %add3A_322 = arith.addi %add3A_276, %add3A_321 : i32
      %mul3A_323 = arith.constant 200 : i32
      %mul3A_324 = arith.muli %add3A_322, %mul3A_323 : i32
      %dma_start3A_325 = arith.constant 1 : i32
      %dma_start3A_326 = arith.constant 0 : i32
      %dma_start3A_327 = arith.constant 0 : i32
      %dma_start3A_328 = tpu.memref_slice %arg6[%dma_start3A_325, %dma_start3A_326, %dma_start3A_327] : memref<4x200x128xf32, #tpu.memory_space<vmem>> -> memref<1x200x128xf32, #tpu.memory_space<vmem>>
      %dma_start3A_329 = tpu.memref_squeeze %dma_start3A_328 : memref<1x200x128xf32, #tpu.memory_space<vmem>> -> memref<200x128xf32, #tpu.memory_space<vmem>>
      %dma_start3A_330 = tpu.memref_slice %arg5[%mul3A_324] : memref<25600xi32, #tpu.memory_space<vmem>> -> memref<200xi32, #tpu.memory_space<vmem>>
      %dma_start3A_331 = arith.constant 0 : i32
      %dma_start3A_332 = arith.constant 0 : i32
      %dma_start3A_333 = tpu.memref_slice %arg3[%dma_start3A_331, %dma_start3A_332] : memref<100000x128xf32, #tpu.memory_space<hbm>> -> memref<100000x128xf32, #tpu.memory_space<hbm>>
      tpu.enqueue_indirect_dma source(%dma_start3A_333 : memref<100000x128xf32, #tpu.memory_space<hbm>>) target(%dma_start3A_329 : memref<200x128xf32, #tpu.memory_space<vmem>>) offsets(%dma_start3A_330 : memref<200xi32, #tpu.memory_space<vmem>>) semaphore(%arg8 : memref<!tpu.dma_semaphore, #tpu.memory_space<semaphore_mem>>)
      %mul3A_334 = arith.constant 4 : i32
      %mul3A_335 = arith.muli %mul3A_334, %scan3A_208 : i32
      %add3A_336 = arith.constant 2 : i32
      %add3A_337 = arith.addi %add3A_336, %mul3A_335 : i32
      %add3A_338 = arith.constant 2 : i32
      %add3A_339 = arith.addi %add3A_337, %add3A_338 : i32
      %dma_wait3A_340 = arith.constant 0 : i32
      %dma_wait3A_341 = arith.constant 0 : i32
      %dma_wait3A_342 = arith.constant 0 : i32
      %dma_wait3A_343 = tpu.memref_slice %arg6[%dma_wait3A_340, %dma_wait3A_341, %dma_wait3A_342] : memref<4x200x128xf32, #tpu.memory_space<vmem>> -> memref<1x200x128xf32, #tpu.memory_space<vmem>>
      %dma_wait3A_344 = tpu.memref_squeeze %dma_wait3A_343 : memref<1x200x128xf32, #tpu.memory_space<vmem>> -> memref<200x128xf32, #tpu.memory_space<vmem>>
      %dma_wait3A_345 = arith.constant 0 : i32
      %dma_wait3A_346 = tpu.memref_slice %arg5[%dma_wait3A_345] : memref<25600xi32, #tpu.memory_space<vmem>> -> memref<200xi32, #tpu.memory_space<vmem>>
      %dma_wait3A_347 = arith.constant 0 : i32
      %dma_wait3A_348 = arith.constant 0 : i32
      %dma_wait3A_349 = tpu.memref_slice %arg3[%dma_wait3A_347, %dma_wait3A_348] : memref<100000x128xf32, #tpu.memory_space<hbm>> -> memref<100000x128xf32, #tpu.memory_space<hbm>>
      tpu.wait_indirect_dma semaphore(%arg7 : memref<!tpu.dma_semaphore, #tpu.memory_space<semaphore_mem>>) src(%dma_wait3A_349 : memref<100000x128xf32, #tpu.memory_space<hbm>>) dst(%dma_wait3A_344 : memref<200x128xf32, #tpu.memory_space<vmem>>)
      %mul3A_350 = arith.constant 200 : i32
      %mul3A_351 = arith.muli %add3A_339, %mul3A_350 : i32
      %add3A_352 = arith.addi %mul3A_2, %mul3A_351 : i32
      %dma_start3A_353 = arith.constant 0 : i32
      %dma_start3A_354 = arith.constant 0 : i32
      %dma_start3A_355 = arith.constant 0 : i32
      %dma_start3A_356 = tpu.memref_slice %arg6[%dma_start3A_353, %dma_start3A_354, %dma_start3A_355] : memref<4x200x128xf32, #tpu.memory_space<vmem>> -> memref<1x200x128xf32, #tpu.memory_space<vmem>>
      %dma_start3A_357 = tpu.memref_squeeze %dma_start3A_356 : memref<1x200x128xf32, #tpu.memory_space<vmem>> -> memref<200x128xf32, #tpu.memory_space<vmem>>
      %dma_start3A_358 = arith.constant 0 : i32
      %dma_start3A_359 = tpu.memref_slice %arg4[%add3A_352, %dma_start3A_358] : memref<819200x128xf32, #tpu.memory_space<hbm>> -> memref<200x128xf32, #tpu.memory_space<hbm>>
      %dma_start3A_360 = arith.constant 0 : i32
      %dma_start3A_361 = tpu.memref_slice %arg4[%add3A_352, %dma_start3A_360] : memref<819200x128xf32, #tpu.memory_space<hbm>> -> memref<200x128xf32, #tpu.memory_space<hbm>>
      %dma_start3A_362 = arith.constant 0 : i32
      %dma_start3A_363 = arith.constant 0 : i32
      %dma_start3A_364 = tpu.memref_slice %arg6[%dma_start3A_353, %dma_start3A_362, %dma_start3A_363] : memref<4x200x128xf32, #tpu.memory_space<vmem>> -> memref<1x200x128xf32, #tpu.memory_space<vmem>>
      %dma_start3A_365 = tpu.memref_squeeze %dma_start3A_364 : memref<1x200x128xf32, #tpu.memory_space<vmem>> -> memref<200x128xf32, #tpu.memory_space<vmem>>
      tpu.enqueue_dma source(%dma_start3A_365 : memref<200x128xf32, #tpu.memory_space<vmem>>) target(%dma_start3A_361 : memref<200x128xf32, #tpu.memory_space<hbm>>) target_semaphore(%arg11 : memref<!tpu.dma_semaphore, #tpu.memory_space<semaphore_mem>>)
      %sub3A_366 = arith.constant 2 : i32
      %sub3A_367 = arith.subi %add3A_339, %sub3A_366 : i32
      %mul3A_368 = arith.constant 200 : i32
      %mul3A_369 = arith.muli %sub3A_367, %mul3A_368 : i32
      %add3A_370 = arith.addi %mul3A_2, %mul3A_369 : i32
      %dma_wait3A_371 = arith.constant 2 : i32
      %dma_wait3A_372 = arith.constant 0 : i32
      %dma_wait3A_373 = arith.constant 0 : i32
      %dma_wait3A_374 = tpu.memref_slice %arg6[%dma_wait3A_371, %dma_wait3A_372, %dma_wait3A_373] : memref<4x200x128xf32, #tpu.memory_space<vmem>> -> memref<1x200x128xf32, #tpu.memory_space<vmem>>
      %dma_wait3A_375 = tpu.memref_squeeze %dma_wait3A_374 : memref<1x200x128xf32, #tpu.memory_space<vmem>> -> memref<200x128xf32, #tpu.memory_space<vmem>>
      %dma_wait3A_376 = arith.constant 0 : i32
      %dma_wait3A_377 = tpu.memref_slice %arg4[%add3A_370, %dma_wait3A_376] : memref<819200x128xf32, #tpu.memory_space<hbm>> -> memref<200x128xf32, #tpu.memory_space<hbm>>
      %dma_wait3A_378 = arith.constant 0 : i32
      %dma_wait3A_379 = tpu.memref_slice %arg4[%add3A_370, %dma_wait3A_378] : memref<819200x128xf32, #tpu.memory_space<hbm>> -> memref<200x128xf32, #tpu.memory_space<hbm>>
      %dma_wait3A_380 = arith.constant 0 : i32
      %dma_wait3A_381 = arith.constant 0 : i32
      %dma_wait3A_382 = tpu.memref_slice %arg6[%dma_wait3A_371, %dma_wait3A_380, %dma_wait3A_381] : memref<4x200x128xf32, #tpu.memory_space<vmem>> -> memref<1x200x128xf32, #tpu.memory_space<vmem>>
      %dma_wait3A_383 = tpu.memref_squeeze %dma_wait3A_382 : memref<1x200x128xf32, #tpu.memory_space<vmem>> -> memref<200x128xf32, #tpu.memory_space<vmem>>
      tpu.wait_dma2 semaphore(%arg13 : memref<!tpu.dma_semaphore, #tpu.memory_space<semaphore_mem>>) src(%dma_wait3A_383 : memref<200x128xf32, #tpu.memory_space<vmem>>) dst(%dma_wait3A_379 : memref<200x128xf32, #tpu.memory_space<hbm>>)
      %add3A_384 = arith.constant 2 : i32
      %add3A_385 = arith.addi %add3A_339, %add3A_384 : i32
      %mul3A_386 = arith.constant 200 : i32
      %mul3A_387 = arith.muli %add3A_385, %mul3A_386 : i32
      %dma_start3A_388 = arith.constant 2 : i32
      %dma_start3A_389 = arith.constant 0 : i32
      %dma_start3A_390 = arith.constant 0 : i32
      %dma_start3A_391 = tpu.memref_slice %arg6[%dma_start3A_388, %dma_start3A_389, %dma_start3A_390] : memref<4x200x128xf32, #tpu.memory_space<vmem>> -> memref<1x200x128xf32, #tpu.memory_space<vmem>>
      %dma_start3A_392 = tpu.memref_squeeze %dma_start3A_391 : memref<1x200x128xf32, #tpu.memory_space<vmem>> -> memref<200x128xf32, #tpu.memory_space<vmem>>
      %dma_start3A_393 = tpu.memref_slice %arg5[%mul3A_387] : memref<25600xi32, #tpu.memory_space<vmem>> -> memref<200xi32, #tpu.memory_space<vmem>>
      %dma_start3A_394 = arith.constant 0 : i32
      %dma_start3A_395 = arith.constant 0 : i32
      %dma_start3A_396 = tpu.memref_slice %arg3[%dma_start3A_394, %dma_start3A_395] : memref<100000x128xf32, #tpu.memory_space<hbm>> -> memref<100000x128xf32, #tpu.memory_space<hbm>>
      tpu.enqueue_indirect_dma source(%dma_start3A_396 : memref<100000x128xf32, #tpu.memory_space<hbm>>) target(%dma_start3A_392 : memref<200x128xf32, #tpu.memory_space<vmem>>) offsets(%dma_start3A_393 : memref<200xi32, #tpu.memory_space<vmem>>) semaphore(%arg9 : memref<!tpu.dma_semaphore, #tpu.memory_space<semaphore_mem>>)
      %mul3A_397 = arith.constant 4 : i32
      %mul3A_398 = arith.muli %mul3A_397, %scan3A_208 : i32
      %add3A_399 = arith.constant 2 : i32
      %add3A_400 = arith.addi %add3A_399, %mul3A_398 : i32
      %add3A_401 = arith.constant 3 : i32
      %add3A_402 = arith.addi %add3A_400, %add3A_401 : i32
      %dma_wait3A_403 = arith.constant 1 : i32
      %dma_wait3A_404 = arith.constant 0 : i32
      %dma_wait3A_405 = arith.constant 0 : i32
      %dma_wait3A_406 = tpu.memref_slice %arg6[%dma_wait3A_403, %dma_wait3A_404, %dma_wait3A_405] : memref<4x200x128xf32, #tpu.memory_space<vmem>> -> memref<1x200x128xf32, #tpu.memory_space<vmem>>
      %dma_wait3A_407 = tpu.memref_squeeze %dma_wait3A_406 : memref<1x200x128xf32, #tpu.memory_space<vmem>> -> memref<200x128xf32, #tpu.memory_space<vmem>>
      %dma_wait3A_408 = arith.constant 200 : i32
      %dma_wait3A_409 = tpu.memref_slice %arg5[%dma_wait3A_408] : memref<25600xi32, #tpu.memory_space<vmem>> -> memref<200xi32, #tpu.memory_space<vmem>>
      %dma_wait3A_410 = arith.constant 0 : i32
      %dma_wait3A_411 = arith.constant 0 : i32
      %dma_wait3A_412 = tpu.memref_slice %arg3[%dma_wait3A_410, %dma_wait3A_411] : memref<100000x128xf32, #tpu.memory_space<hbm>> -> memref<100000x128xf32, #tpu.memory_space<hbm>>
      tpu.wait_indirect_dma semaphore(%arg8 : memref<!tpu.dma_semaphore, #tpu.memory_space<semaphore_mem>>) src(%dma_wait3A_412 : memref<100000x128xf32, #tpu.memory_space<hbm>>) dst(%dma_wait3A_407 : memref<200x128xf32, #tpu.memory_space<vmem>>)
      %mul3A_413 = arith.constant 200 : i32
      %mul3A_414 = arith.muli %add3A_402, %mul3A_413 : i32
      %add3A_415 = arith.addi %mul3A_2, %mul3A_414 : i32
      %dma_start3A_416 = arith.constant 1 : i32
      %dma_start3A_417 = arith.constant 0 : i32
      %dma_start3A_418 = arith.constant 0 : i32
      %dma_start3A_419 = tpu.memref_slice %arg6[%dma_start3A_416, %dma_start3A_417, %dma_start3A_418] : memref<4x200x128xf32, #tpu.memory_space<vmem>> -> memref<1x200x128xf32, #tpu.memory_space<vmem>>
      %dma_start3A_420 = tpu.memref_squeeze %dma_start3A_419 : memref<1x200x128xf32, #tpu.memory_space<vmem>> -> memref<200x128xf32, #tpu.memory_space<vmem>>
      %dma_start3A_421 = arith.constant 0 : i32
      %dma_start3A_422 = tpu.memref_slice %arg4[%add3A_415, %dma_start3A_421] : memref<819200x128xf32, #tpu.memory_space<hbm>> -> memref<200x128xf32, #tpu.memory_space<hbm>>
      %dma_start3A_423 = arith.constant 0 : i32
      %dma_start3A_424 = tpu.memref_slice %arg4[%add3A_415, %dma_start3A_423] : memref<819200x128xf32, #tpu.memory_space<hbm>> -> memref<200x128xf32, #tpu.memory_space<hbm>>
      %dma_start3A_425 = arith.constant 0 : i32
      %dma_start3A_426 = arith.constant 0 : i32
      %dma_start3A_427 = tpu.memref_slice %arg6[%dma_start3A_416, %dma_start3A_425, %dma_start3A_426] : memref<4x200x128xf32, #tpu.memory_space<vmem>> -> memref<1x200x128xf32, #tpu.memory_space<vmem>>
      %dma_start3A_428 = tpu.memref_squeeze %dma_start3A_427 : memref<1x200x128xf32, #tpu.memory_space<vmem>> -> memref<200x128xf32, #tpu.memory_space<vmem>>
      tpu.enqueue_dma source(%dma_start3A_428 : memref<200x128xf32, #tpu.memory_space<vmem>>) target(%dma_start3A_424 : memref<200x128xf32, #tpu.memory_space<hbm>>) target_semaphore(%arg12 : memref<!tpu.dma_semaphore, #tpu.memory_space<semaphore_mem>>)
      %sub3A_429 = arith.constant 2 : i32
      %sub3A_430 = arith.subi %add3A_402, %sub3A_429 : i32
      %mul3A_431 = arith.constant 200 : i32
      %mul3A_432 = arith.muli %sub3A_430, %mul3A_431 : i32
      %add3A_433 = arith.addi %mul3A_2, %mul3A_432 : i32
      %dma_wait3A_434 = arith.constant 3 : i32
      %dma_wait3A_435 = arith.constant 0 : i32
      %dma_wait3A_436 = arith.constant 0 : i32
      %dma_wait3A_437 = tpu.memref_slice %arg6[%dma_wait3A_434, %dma_wait3A_435, %dma_wait3A_436] : memref<4x200x128xf32, #tpu.memory_space<vmem>> -> memref<1x200x128xf32, #tpu.memory_space<vmem>>
      %dma_wait3A_438 = tpu.memref_squeeze %dma_wait3A_437 : memref<1x200x128xf32, #tpu.memory_space<vmem>> -> memref<200x128xf32, #tpu.memory_space<vmem>>
      %dma_wait3A_439 = arith.constant 0 : i32
      %dma_wait3A_440 = tpu.memref_slice %arg4[%add3A_433, %dma_wait3A_439] : memref<819200x128xf32, #tpu.memory_space<hbm>> -> memref<200x128xf32, #tpu.memory_space<hbm>>
      %dma_wait3A_441 = arith.constant 0 : i32
      %dma_wait3A_442 = tpu.memref_slice %arg4[%add3A_433, %dma_wait3A_441] : memref<819200x128xf32, #tpu.memory_space<hbm>> -> memref<200x128xf32, #tpu.memory_space<hbm>>
      %dma_wait3A_443 = arith.constant 0 : i32
      %dma_wait3A_444 = arith.constant 0 : i32
      %dma_wait3A_445 = tpu.memref_slice %arg6[%dma_wait3A_434, %dma_wait3A_443, %dma_wait3A_444] : memref<4x200x128xf32, #tpu.memory_space<vmem>> -> memref<1x200x128xf32, #tpu.memory_space<vmem>>
      %dma_wait3A_446 = tpu.memref_squeeze %dma_wait3A_445 : memref<1x200x128xf32, #tpu.memory_space<vmem>> -> memref<200x128xf32, #tpu.memory_space<vmem>>
      tpu.wait_dma2 semaphore(%arg14 : memref<!tpu.dma_semaphore, #tpu.memory_space<semaphore_mem>>) src(%dma_wait3A_446 : memref<200x128xf32, #tpu.memory_space<vmem>>) dst(%dma_wait3A_442 : memref<200x128xf32, #tpu.memory_space<hbm>>)
      %add3A_447 = arith.constant 2 : i32
      %add3A_448 = arith.addi %add3A_402, %add3A_447 : i32
      %mul3A_449 = arith.constant 200 : i32
      %mul3A_450 = arith.muli %add3A_448, %mul3A_449 : i32
      %dma_start3A_451 = arith.constant 3 : i32
      %dma_start3A_452 = arith.constant 0 : i32
      %dma_start3A_453 = arith.constant 0 : i32
      %dma_start3A_454 = tpu.memref_slice %arg6[%dma_start3A_451, %dma_start3A_452, %dma_start3A_453] : memref<4x200x128xf32, #tpu.memory_space<vmem>> -> memref<1x200x128xf32, #tpu.memory_space<vmem>>
      %dma_start3A_455 = tpu.memref_squeeze %dma_start3A_454 : memref<1x200x128xf32, #tpu.memory_space<vmem>> -> memref<200x128xf32, #tpu.memory_space<vmem>>
      %dma_start3A_456 = tpu.memref_slice %arg5[%mul3A_450] : memref<25600xi32, #tpu.memory_space<vmem>> -> memref<200xi32, #tpu.memory_space<vmem>>
      %dma_start3A_457 = arith.constant 0 : i32
      %dma_start3A_458 = arith.constant 0 : i32
      %dma_start3A_459 = tpu.memref_slice %arg3[%dma_start3A_457, %dma_start3A_458] : memref<100000x128xf32, #tpu.memory_space<hbm>> -> memref<100000x128xf32, #tpu.memory_space<hbm>>
      tpu.enqueue_indirect_dma source(%dma_start3A_459 : memref<100000x128xf32, #tpu.memory_space<hbm>>) target(%dma_start3A_455 : memref<200x128xf32, #tpu.memory_space<vmem>>) offsets(%dma_start3A_456 : memref<200xi32, #tpu.memory_space<vmem>>) semaphore(%arg10 : memref<!tpu.dma_semaphore, #tpu.memory_space<semaphore_mem>>)
    }
    %scan3A_97 = arith.constant 31 : i32
    %dma_wait3A_98 = arith.constant 2 : i32
    %dma_wait3A_99 = arith.constant 0 : i32
    %dma_wait3A_100 = arith.constant 0 : i32
    %dma_wait3A_101 = tpu.memref_slice %arg6[%dma_wait3A_98, %dma_wait3A_99, %dma_wait3A_100] : memref<4x200x128xf32, #tpu.memory_space<vmem>> -> memref<1x200x128xf32, #tpu.memory_space<vmem>>
    %dma_wait3A_102 = tpu.memref_squeeze %dma_wait3A_101 : memref<1x200x128xf32, #tpu.memory_space<vmem>> -> memref<200x128xf32, #tpu.memory_space<vmem>>
    %dma_wait3A_103 = arith.constant 400 : i32
    %dma_wait3A_104 = tpu.memref_slice %arg5[%dma_wait3A_103] : memref<25600xi32, #tpu.memory_space<vmem>> -> memref<200xi32, #tpu.memory_space<vmem>>
    %dma_wait3A_105 = arith.constant 0 : i32
    %dma_wait3A_106 = arith.constant 0 : i32
    %dma_wait3A_107 = tpu.memref_slice %arg3[%dma_wait3A_105, %dma_wait3A_106] : memref<100000x128xf32, #tpu.memory_space<hbm>> -> memref<100000x128xf32, #tpu.memory_space<hbm>>
    tpu.wait_indirect_dma semaphore(%arg9 : memref<!tpu.dma_semaphore, #tpu.memory_space<semaphore_mem>>) src(%dma_wait3A_107 : memref<100000x128xf32, #tpu.memory_space<hbm>>) dst(%dma_wait3A_102 : memref<200x128xf32, #tpu.memory_space<vmem>>)
    %add3A_108 = arith.constant 25200 : i32
    %add3A_109 = arith.addi %mul3A_2, %add3A_108 : i32
    %dma_start3A_110 = arith.constant 2 : i32
    %dma_start3A_111 = arith.constant 0 : i32
    %dma_start3A_112 = arith.constant 0 : i32
    %dma_start3A_113 = tpu.memref_slice %arg6[%dma_start3A_110, %dma_start3A_111, %dma_start3A_112] : memref<4x200x128xf32, #tpu.memory_space<vmem>> -> memref<1x200x128xf32, #tpu.memory_space<vmem>>
    %dma_start3A_114 = tpu.memref_squeeze %dma_start3A_113 : memref<1x200x128xf32, #tpu.memory_space<vmem>> -> memref<200x128xf32, #tpu.memory_space<vmem>>
    %dma_start3A_115 = arith.constant 0 : i32
    %dma_start3A_116 = tpu.memref_slice %arg4[%add3A_109, %dma_start3A_115] : memref<819200x128xf32, #tpu.memory_space<hbm>> -> memref<200x128xf32, #tpu.memory_space<hbm>>
    %dma_start3A_117 = arith.constant 0 : i32
    %dma_start3A_118 = tpu.memref_slice %arg4[%add3A_109, %dma_start3A_117] : memref<819200x128xf32, #tpu.memory_space<hbm>> -> memref<200x128xf32, #tpu.memory_space<hbm>>
    %dma_start3A_119 = arith.constant 0 : i32
    %dma_start3A_120 = arith.constant 0 : i32
    %dma_start3A_121 = tpu.memref_slice %arg6[%dma_start3A_110, %dma_start3A_119, %dma_start3A_120] : memref<4x200x128xf32, #tpu.memory_space<vmem>> -> memref<1x200x128xf32, #tpu.memory_space<vmem>>
    %dma_start3A_122 = tpu.memref_squeeze %dma_start3A_121 : memref<1x200x128xf32, #tpu.memory_space<vmem>> -> memref<200x128xf32, #tpu.memory_space<vmem>>
    tpu.enqueue_dma source(%dma_start3A_122 : memref<200x128xf32, #tpu.memory_space<vmem>>) target(%dma_start3A_118 : memref<200x128xf32, #tpu.memory_space<hbm>>) target_semaphore(%arg13 : memref<!tpu.dma_semaphore, #tpu.memory_space<semaphore_mem>>)
    %add3A_123 = arith.constant 24800 : i32
    %add3A_124 = arith.addi %mul3A_2, %add3A_123 : i32
    %dma_wait3A_125 = arith.constant 0 : i32
    %dma_wait3A_126 = arith.constant 0 : i32
    %dma_wait3A_127 = arith.constant 0 : i32
    %dma_wait3A_128 = tpu.memref_slice %arg6[%dma_wait3A_125, %dma_wait3A_126, %dma_wait3A_127] : memref<4x200x128xf32, #tpu.memory_space<vmem>> -> memref<1x200x128xf32, #tpu.memory_space<vmem>>
    %dma_wait3A_129 = tpu.memref_squeeze %dma_wait3A_128 : memref<1x200x128xf32, #tpu.memory_space<vmem>> -> memref<200x128xf32, #tpu.memory_space<vmem>>
    %dma_wait3A_130 = arith.constant 0 : i32
    %dma_wait3A_131 = tpu.memref_slice %arg4[%add3A_124, %dma_wait3A_130] : memref<819200x128xf32, #tpu.memory_space<hbm>> -> memref<200x128xf32, #tpu.memory_space<hbm>>
    %dma_wait3A_132 = arith.constant 0 : i32
    %dma_wait3A_133 = tpu.memref_slice %arg4[%add3A_124, %dma_wait3A_132] : memref<819200x128xf32, #tpu.memory_space<hbm>> -> memref<200x128xf32, #tpu.memory_space<hbm>>
    %dma_wait3A_134 = arith.constant 0 : i32
    %dma_wait3A_135 = arith.constant 0 : i32
    %dma_wait3A_136 = tpu.memref_slice %arg6[%dma_wait3A_125, %dma_wait3A_134, %dma_wait3A_135] : memref<4x200x128xf32, #tpu.memory_space<vmem>> -> memref<1x200x128xf32, #tpu.memory_space<vmem>>
    %dma_wait3A_137 = tpu.memref_squeeze %dma_wait3A_136 : memref<1x200x128xf32, #tpu.memory_space<vmem>> -> memref<200x128xf32, #tpu.memory_space<vmem>>
    tpu.wait_dma2 semaphore(%arg11 : memref<!tpu.dma_semaphore, #tpu.memory_space<semaphore_mem>>) src(%dma_wait3A_137 : memref<200x128xf32, #tpu.memory_space<vmem>>) dst(%dma_wait3A_133 : memref<200x128xf32, #tpu.memory_space<hbm>>)
    %dma_wait3A_138 = arith.constant 3 : i32
    %dma_wait3A_139 = arith.constant 0 : i32
    %dma_wait3A_140 = arith.constant 0 : i32
    %dma_wait3A_141 = tpu.memref_slice %arg6[%dma_wait3A_138, %dma_wait3A_139, %dma_wait3A_140] : memref<4x200x128xf32, #tpu.memory_space<vmem>> -> memref<1x200x128xf32, #tpu.memory_space<vmem>>
    %dma_wait3A_142 = tpu.memref_squeeze %dma_wait3A_141 : memref<1x200x128xf32, #tpu.memory_space<vmem>> -> memref<200x128xf32, #tpu.memory_space<vmem>>
    %dma_wait3A_143 = arith.constant 600 : i32
    %dma_wait3A_144 = tpu.memref_slice %arg5[%dma_wait3A_143] : memref<25600xi32, #tpu.memory_space<vmem>> -> memref<200xi32, #tpu.memory_space<vmem>>
    %dma_wait3A_145 = arith.constant 0 : i32
    %dma_wait3A_146 = arith.constant 0 : i32
    %dma_wait3A_147 = tpu.memref_slice %arg3[%dma_wait3A_145, %dma_wait3A_146] : memref<100000x128xf32, #tpu.memory_space<hbm>> -> memref<100000x128xf32, #tpu.memory_space<hbm>>
    tpu.wait_indirect_dma semaphore(%arg10 : memref<!tpu.dma_semaphore, #tpu.memory_space<semaphore_mem>>) src(%dma_wait3A_147 : memref<100000x128xf32, #tpu.memory_space<hbm>>) dst(%dma_wait3A_142 : memref<200x128xf32, #tpu.memory_space<vmem>>)
    %add3A_148 = arith.constant 25400 : i32
    %add3A_149 = arith.addi %mul3A_2, %add3A_148 : i32
    %dma_start3A_150 = arith.constant 3 : i32
    %dma_start3A_151 = arith.constant 0 : i32
    %dma_start3A_152 = arith.constant 0 : i32
    %dma_start3A_153 = tpu.memref_slice %arg6[%dma_start3A_150, %dma_start3A_151, %dma_start3A_152] : memref<4x200x128xf32, #tpu.memory_space<vmem>> -> memref<1x200x128xf32, #tpu.memory_space<vmem>>
    %dma_start3A_154 = tpu.memref_squeeze %dma_start3A_153 : memref<1x200x128xf32, #tpu.memory_space<vmem>> -> memref<200x128xf32, #tpu.memory_space<vmem>>
    %dma_start3A_155 = arith.constant 0 : i32
    %dma_start3A_156 = tpu.memref_slice %arg4[%add3A_149, %dma_start3A_155] : memref<819200x128xf32, #tpu.memory_space<hbm>> -> memref<200x128xf32, #tpu.memory_space<hbm>>
    %dma_start3A_157 = arith.constant 0 : i32
    %dma_start3A_158 = tpu.memref_slice %arg4[%add3A_149, %dma_start3A_157] : memref<819200x128xf32, #tpu.memory_space<hbm>> -> memref<200x128xf32, #tpu.memory_space<hbm>>
    %dma_start3A_159 = arith.constant 0 : i32
    %dma_start3A_160 = arith.constant 0 : i32
    %dma_start3A_161 = tpu.memref_slice %arg6[%dma_start3A_150, %dma_start3A_159, %dma_start3A_160] : memref<4x200x128xf32, #tpu.memory_space<vmem>> -> memref<1x200x128xf32, #tpu.memory_space<vmem>>
    %dma_start3A_162 = tpu.memref_squeeze %dma_start3A_161 : memref<1x200x128xf32, #tpu.memory_space<vmem>> -> memref<200x128xf32, #tpu.memory_space<vmem>>
    tpu.enqueue_dma source(%dma_start3A_162 : memref<200x128xf32, #tpu.memory_space<vmem>>) target(%dma_start3A_158 : memref<200x128xf32, #tpu.memory_space<hbm>>) target_semaphore(%arg14 : memref<!tpu.dma_semaphore, #tpu.memory_space<semaphore_mem>>)
    %add3A_163 = arith.constant 25000 : i32
    %add3A_164 = arith.addi %mul3A_2, %add3A_163 : i32
    %dma_wait3A_165 = arith.constant 1 : i32
    %dma_wait3A_166 = arith.constant 0 : i32
    %dma_wait3A_167 = arith.constant 0 : i32
    %dma_wait3A_168 = tpu.memref_slice %arg6[%dma_wait3A_165, %dma_wait3A_166, %dma_wait3A_167] : memref<4x200x128xf32, #tpu.memory_space<vmem>> -> memref<1x200x128xf32, #tpu.memory_space<vmem>>
    %dma_wait3A_169 = tpu.memref_squeeze %dma_wait3A_168 : memref<1x200x128xf32, #tpu.memory_space<vmem>> -> memref<200x128xf32, #tpu.memory_space<vmem>>
    %dma_wait3A_170 = arith.constant 0 : i32
    %dma_wait3A_171 = tpu.memref_slice %arg4[%add3A_164, %dma_wait3A_170] : memref<819200x128xf32, #tpu.memory_space<hbm>> -> memref<200x128xf32, #tpu.memory_space<hbm>>
    %dma_wait3A_172 = arith.constant 0 : i32
    %dma_wait3A_173 = tpu.memref_slice %arg4[%add3A_164, %dma_wait3A_172] : memref<819200x128xf32, #tpu.memory_space<hbm>> -> memref<200x128xf32, #tpu.memory_space<hbm>>
    %dma_wait3A_174 = arith.constant 0 : i32
    %dma_wait3A_175 = arith.constant 0 : i32
    %dma_wait3A_176 = tpu.memref_slice %arg6[%dma_wait3A_165, %dma_wait3A_174, %dma_wait3A_175] : memref<4x200x128xf32, #tpu.memory_space<vmem>> -> memref<1x200x128xf32, #tpu.memory_space<vmem>>
    %dma_wait3A_177 = tpu.memref_squeeze %dma_wait3A_176 : memref<1x200x128xf32, #tpu.memory_space<vmem>> -> memref<200x128xf32, #tpu.memory_space<vmem>>
    tpu.wait_dma2 semaphore(%arg12 : memref<!tpu.dma_semaphore, #tpu.memory_space<semaphore_mem>>) src(%dma_wait3A_177 : memref<200x128xf32, #tpu.memory_space<vmem>>) dst(%dma_wait3A_173 : memref<200x128xf32, #tpu.memory_space<hbm>>)
    %add3A_178 = arith.constant 25200 : i32
    %add3A_179 = arith.addi %mul3A_2, %add3A_178 : i32
    %dma_wait3A_180 = arith.constant 2 : i32
    %dma_wait3A_181 = arith.constant 0 : i32
    %dma_wait3A_182 = arith.constant 0 : i32
    %dma_wait3A_183 = tpu.memref_slice %arg6[%dma_wait3A_180, %dma_wait3A_181, %dma_wait3A_182] : memref<4x200x128xf32, #tpu.memory_space<vmem>> -> memref<1x200x128xf32, #tpu.memory_space<vmem>>
    %dma_wait3A_184 = tpu.memref_squeeze %dma_wait3A_183 : memref<1x200x128xf32, #tpu.memory_space<vmem>> -> memref<200x128xf32, #tpu.memory_space<vmem>>
    %dma_wait3A_185 = arith.constant 0 : i32
    %dma_wait3A_186 = tpu.memref_slice %arg4[%add3A_179, %dma_wait3A_185] : memref<819200x128xf32, #tpu.memory_space<hbm>> -> memref<200x128xf32, #tpu.memory_space<hbm>>
    %dma_wait3A_187 = arith.constant 0 : i32
    %dma_wait3A_188 = tpu.memref_slice %arg4[%add3A_179, %dma_wait3A_187] : memref<819200x128xf32, #tpu.memory_space<hbm>> -> memref<200x128xf32, #tpu.memory_space<hbm>>
    %dma_wait3A_189 = arith.constant 0 : i32
    %dma_wait3A_190 = arith.constant 0 : i32
    %dma_wait3A_191 = tpu.memref_slice %arg6[%dma_wait3A_180, %dma_wait3A_189, %dma_wait3A_190] : memref<4x200x128xf32, #tpu.memory_space<vmem>> -> memref<1x200x128xf32, #tpu.memory_space<vmem>>
    %dma_wait3A_192 = tpu.memref_squeeze %dma_wait3A_191 : memref<1x200x128xf32, #tpu.memory_space<vmem>> -> memref<200x128xf32, #tpu.memory_space<vmem>>
    tpu.wait_dma2 semaphore(%arg13 : memref<!tpu.dma_semaphore, #tpu.memory_space<semaphore_mem>>) src(%dma_wait3A_192 : memref<200x128xf32, #tpu.memory_space<vmem>>) dst(%dma_wait3A_188 : memref<200x128xf32, #tpu.memory_space<hbm>>)
    %add3A_193 = arith.constant 25400 : i32
    %add3A_194 = arith.addi %mul3A_2, %add3A_193 : i32
    %dma_wait3A_195 = arith.constant 3 : i32
    %dma_wait3A_196 = arith.constant 0 : i32
    %dma_wait3A_197 = arith.constant 0 : i32
    %dma_wait3A_198 = tpu.memref_slice %arg6[%dma_wait3A_195, %dma_wait3A_196, %dma_wait3A_197] : memref<4x200x128xf32, #tpu.memory_space<vmem>> -> memref<1x200x128xf32, #tpu.memory_space<vmem>>
    %dma_wait3A_199 = tpu.memref_squeeze %dma_wait3A_198 : memref<1x200x128xf32, #tpu.memory_space<vmem>> -> memref<200x128xf32, #tpu.memory_space<vmem>>
    %dma_wait3A_200 = arith.constant 0 : i32
    %dma_wait3A_201 = tpu.memref_slice %arg4[%add3A_194, %dma_wait3A_200] : memref<819200x128xf32, #tpu.memory_space<hbm>> -> memref<200x128xf32, #tpu.memory_space<hbm>>
    %dma_wait3A_202 = arith.constant 0 : i32
    %dma_wait3A_203 = tpu.memref_slice %arg4[%add3A_194, %dma_wait3A_202] : memref<819200x128xf32, #tpu.memory_space<hbm>> -> memref<200x128xf32, #tpu.memory_space<hbm>>
    %dma_wait3A_204 = arith.constant 0 : i32
    %dma_wait3A_205 = arith.constant 0 : i32
    %dma_wait3A_206 = tpu.memref_slice %arg6[%dma_wait3A_195, %dma_wait3A_204, %dma_wait3A_205] : memref<4x200x128xf32, #tpu.memory_space<vmem>> -> memref<1x200x128xf32, #tpu.memory_space<vmem>>
    %dma_wait3A_207 = tpu.memref_squeeze %dma_wait3A_206 : memref<1x200x128xf32, #tpu.memory_space<vmem>> -> memref<200x128xf32, #tpu.memory_space<vmem>>
    tpu.wait_dma2 semaphore(%arg14 : memref<!tpu.dma_semaphore, #tpu.memory_space<semaphore_mem>>) src(%dma_wait3A_207 : memref<200x128xf32, #tpu.memory_space<vmem>>) dst(%dma_wait3A_203 : memref<200x128xf32, #tpu.memory_space<hbm>>)
    return
  }
}

</mosaic_0001>

<sc_bundles>
// kernel: kernel.3.cloned.1.call-start
scs
__scs_entry_jumppad:
0x0: {  	(pc) =	sbr.rel $0x88, $3  }
0x1: {  	(tag) =	ssettag $0x0;
	lr =	simm.s32 $0x1  }
0x2: {  	[smem:$0x3F9F] =	sst lr;
	_ =	strace $0xD0000000  }
0x3: {  	_ = 	snop  }
0x4: {  	_ = 	snop  }
0x5: {  	_ = 	snop  }
0x6: {  	_ = 	snop  }
0x7: {  	_ = 	snop  }
__scs_overlays_trampoline_lowered:
0x8: {  	[smem:$0x3FAE] =	sst s0  }
0x9: {  	[smem:$0x3FAF] =	sst s1  }
0xa: {  	[smem:$0x3FB0] =	sst s2  }
0xb: {  	[smem:$0x3FB1] =	sst s3  }
0xc: {  	[smem:$0x3FB2] =	sst s4  }
0xd: {  	[smem:$0x3FB3] =	sst s5  }
0xe: {  	[smem:$0x3FB4] =	sst s6  }
0xf: {  	[smem:$0x3FB5] =	sst s7  }
0x10: {  	[smem:$0x3FB6] =	sst s8  }
0x11: {  	[smem:$0x3FB7] =	sst s9;
	s0 =	simm.s32 @!p0 $0x0  }
0x12: {  	s1 =	sld [smem:$0x3F9D];
	s0 =	simm.s32 @p0 $0x1  }
0x13: {  	[smem:$0x3FB8] =	sst s0;
	s0 =	simm.s32 @!p1 $0x0  }
0x14: {  	s2 =	sld [smem:$0x3F9C];
	s0 =	simm.s32 @p1 $0x1  }
0x15: {  	[smem:$0x3FB9] =	sst s0;
	s0 =	simm.s32 @!p2 $0x0  }
0x16: {  	s3 =	sld [smem:$0x3FDB];
	s0 =	simm.s32 @p2 $0x1  }
0x17: {  	s4 =	simm.s32 $0x1BF5;
	[smem:$0x3FBB] =	sst s0  }
0x18: {  	s0 =	sld [smem:$0x3F9E];
	_ =	swait.ge [sflag:s4], $0x0  }
0x19: {  	s7 =	sld [smem:$0x3F9F]  }
0x1a: {  	s8 =	sadd.s32 $0xFFFFE003, lr  }
0x1b: {  	s9 =	sadd.s32 $0xFFFFFEF7, lr;
	s5 =	simm.s32 $0xFFFFFFFF;
	p2 =	slt.u32 s8, $0xFFFFF086  }
0x1c: {  	p1 =	slt.u32 s9, $0xF7A;
	s5 =	simm.s32 @!p2 $0x0  }
0x1d: {  	s5 =	simm.s32 @p1 $0x1;
	p0 =	seq.s32 s7, s2  }
0x1e: {  	s7 =	smul.u32 @!p0 $0xF7A, s2;
	p2 =	seq.s32 @!p0 s5, $0x0  }
0x1f: {  	s9 =	smul.u32 $0xF7A, s1;
	s8 =	simm.s32 @!p0 $0x1BF5;
	p2 =	por !p2, p0  }
0x20: {  	[sflag:s8] =	ssyncset.s32 @!p0 $0xFFFFF086;
	s6 =	sadd.s32 @!p0 s3, s7;
	s7 =	simm.s32 @!p0 $0x108  }
0x21: {  	s3 =	sadd.s32 s3, s9;
	s6 =	sadd.s32 @!p0 $0x88, s6;
	s7 =	simm.s32 @p2 $0x1082  }
0x22: {  	[simem:s7], [sflag:s8] =	dma.local @!p0 [hbm:s6], $0xF7A  }
0x23: {  	s9 =	sor.u32 $0xD0000000, s2;
	s6 =	simm.s32 $0x108;
	_ =	swait.ge @!p0 [sflag:s8], $0x0  }
0x24: {  	s3 =	sadd.s32 $0x88, s3;
	s6 =	simm.s32 @!p1 $0x1082;
	[sflag:s4] =	ssyncset.s32 $0xFFFFF086  }
0x25: {  	[simem:s6], [sflag:s4] =	dma.local [hbm:s3], $0xF7A  }
0x26: {  	[smem:$0x3F9F] =	sst s1;
	(tag) =	ssettag s2;
	_ =	strace s9  }
0x27: {  	s1 =	sld [smem:$0x3FAF]  }
0x28: {  	s2 =	sld [smem:$0x3FB0]  }
0x29: {  	s4 =	sld [smem:$0x3FB2]  }
0x2a: {  	p0 =	seq.s32 s5, $0x0;
	s5 =	sld [smem:$0x3FB3]  }
0x2b: {  	s6 =	sld [smem:$0x3FB4]  }
0x2c: {  	s7 =	sld [smem:$0x3FB5]  }
0x2d: {  	s3 =	simm.s32 $0x108;
	s8 =	sld [smem:$0x3FB6]  }
0x2e: {  	s3 =	simm.s32 @!p0 $0x1082;
	s9 =	sld [smem:$0x3FB7]  }
0x2f: {  	lr =	sadd.s32 s0, s3;
	s0 =	sld [smem:$0x3FAE]  }
0x30: {  	s3 =	sld [smem:$0x3FB1]  }
0x31: {  	[smem:$0x3FBA] =	sst s10  }
0x32: {  	s10 =	sld [smem:$0x3FB8];
	_ =	sdelay $0x3  }
0x33: {  	p0 =	seq.s32 s10, $0x1;
	s10 =	sld [smem:$0x3FBA];
	_ =	sdelay $0x3  }
0x34: {  	[smem:$0x3FBA] =	sst s10  }
0x35: {  	s10 =	sld [smem:$0x3FB9];
	_ =	sdelay $0x3  }
0x36: {  	p1 =	seq.s32 s10, $0x1;
	s10 =	sld [smem:$0x3FBA];
	_ =	sdelay $0x3  }
0x37: {  	[smem:$0x3FBA] =	sst s10  }
0x38: {  	s10 =	sld [smem:$0x3FBB]  }
0x39: {  	_ = 	snop;
	(pc) =	sbr.ind lr, $3  }
0x3a: {  	_ = 	snop  }
0x3b: {  	_ = 	snop  }
0x3c: {  	p2 =	seq.s32 s10, $0x1;
	s10 =	sld [smem:$0x3FBA]  }
0x3d: {  	_ =	shalt  }
0x3e: {  	_ =	shalt  }
0x3f: {  	_ =	shalt  }
0x40: {  	_ =	shalt  }
0x41: {  	_ =	shalt  }
0x42: {  	_ =	shalt  }
0x43: {  	_ =	shalt  }
0x44: {  	_ =	shalt  }
0x45: {  	_ =	shalt  }
0x46: {  	_ =	shalt  }
0x47: {  	_ =	shalt  }
0x48: {  	_ =	shalt  }
0x49: {  	_ =	shalt  }
0x4a: {  	_ =	shalt  }
0x4b: {  	_ =	shalt  }
0x4c: {  	_ =	shalt  }
0x4d: {  	_ =	shalt  }
0x4e: {  	_ =	shalt  }
0x4f: {  	_ =	shalt  }
0x50: {  	_ =	shalt  }
0x51: {  	_ =	shalt  }
0x52: {  	_ =	shalt  }
0x53: {  	_ =	shalt  }
0x54: {  	_ =	shalt  }
0x55: {  	_ =	shalt  }
0x56: {  	_ =	shalt  }
0x57: {  	_ =	shalt  }
0x58: {  	_ =	shalt  }
0x59: {  	_ =	shalt  }
0x5a: {  	_ =	shalt  }
0x5b: {  	_ =	shalt  }
0x5c: {  	_ =	shalt  }
0x5d: {  	_ =	shalt  }
0x5e: {  	_ =	shalt  }
0x5f: {  	_ =	shalt  }
0x60: {  	_ =	shalt  }
0x61: {  	_ =	shalt  }
0x62: {  	_ =	shalt  }
0x63: {  	_ =	shalt  }
0x64: {  	_ =	shalt  }
0x65: {  	_ =	shalt  }
0x66: {  	_ =	shalt  }
0x67: {  	_ =	shalt  }
0x68: {  	_ =	shalt  }
0x69: {  	_ =	shalt  }
0x6a: {  	_ =	shalt  }
0x6b: {  	_ =	shalt  }
0x6c: {  	_ =	shalt  }
0x6d: {  	_ =	shalt  }
0x6e: {  	_ =	shalt  }
0x6f: {  	_ =	shalt  }
0x70: {  	_ =	shalt  }
0x71: {  	_ =	shalt  }
0x72: {  	_ =	shalt  }
0x73: {  	_ =	shalt  }
0x74: {  	_ =	shalt  }
0x75: {  	_ =	shalt  }
0x76: {  	_ =	shalt  }
0x77: {  	_ =	shalt  }
0x78: {  	_ =	shalt  }
0x79: {  	_ =	shalt  }
0x7a: {  	_ =	shalt  }
0x7b: {  	_ =	shalt  }
0x7c: {  	_ =	shalt  }
0x7d: {  	_ =	shalt  }
0x7e: {  	_ =	shalt  }
0x7f: {  	_ =	shalt  }
0x80: {  	_ =	shalt  }
0x81: {  	_ =	shalt  }
0x82: {  	_ =	shalt  }
0x83: {  	_ =	shalt  }
0x84: {  	_ =	shalt  }
0x85: {  	_ =	shalt  }
0x86: {  	_ =	shalt  }
0x87: {  	_ =	shalt  }
.Lfunc_end0:
.L_simem_size_0:
called_computation_lowered:
.L_overlay_start_0:
0x88: {  	s2 =	sld [smem:$0x3FD9]  }
0x89: {  	s3 =	sld [smem:$0x3FFE];
	_ =	sdelay $0x1  }
0x8a: {  	s1 =	srdreg.scid  }
0x8b: {  	s0 =	sand.u32 $0x1, s1  }
0x8c: {  	s17 =	sshll.u32 s0, $0xA;
	s2 =	sadd.s32 s3, s2  }
0x8d: {  	s2 =	sadd.s32 s2, s17  }
0x8e: {  	[smem:$0x3FC6] =	sst s2  }
0x8f: {  	_ = 	snop  }
0x90: {  	s2 =	sld [smem:$0x3FC8]  }
0x91: {  	s18 =	sld [smem:$0x3FD0];
	(tm) =	ssettm $0x1  }
0x92: {  	s4 =	sld [smem:$0x3FFB];
	_ =	sdelay $0x3  }
0x93: {  	_ =	strace s4  }
0x94: {  	s4 =	sld [smem:$0x3FFC];
	_ =	sdelay $0x3  }
0x95: {  	_ =	strace s4  }
0x96: {  	s4 =	sld [smem:$0x3FFD];
	_ =	sdelay $0x3  }
0x97: {  	_ =	strace s4  }
0x98: {  	_ =	strace $0x8FFFFFFF  }
0x99: {  	s19 =	sld [smem:$0x3FDB];
	_ =	sdelay $0x1  }
0x9a: {  	s5 =	simm.s32 $_scs_section_size  }
0x9b: {  	s6 =	simm.s32 $_size__tile_overlayer_lowered;
	s7 =	simm.s32 $_tile_overlayer_lowered  }
0x9c: {  	s22 =	simm.s32 $0x1BFF;
	s21 =	sshll.u32 s7, $0x1;
	s4 =	sadd.s32 s5, s19  }
0x9d: {  	s8 =	simm.s32 $0x0;
	s20 =	sshll.u32 s6, $0x1;
	s6 =	sadd.s32 s21, s4  }
0x9e: {  	[timem:s8], [sflag:s22] =	dma.local [hbm:s6], s20  }
0x9f: {  	_ =	swait.ge [sflag:s22], s20  }
0xa0: {  	s5 =	ssub.s32 $0x0, s20;
	[sflag:s22] =	ssyncset.done $0x0  }
0xa1: {  	[sflag:s22] =	ssyncadd.s32 s5;
	_ =	sdelay $0x1  }
0xa2: {  	s23 =	simm.s32 $0x1B8B  }
0xa3: {  	_ =	swait.ge [sflag:s23], $0x1  }
0xa4: {  	[sflag:s23] =	ssyncset.done $0x0  }
0xa5: {  	s25 =	simm.s32 $0x1B8E;
	s24 =	sld [smem:$0x3FFE];
	[sflag:s23] =	ssyncadd.s32 $0xFFFFFFFF  }
0xa6: {  	s26 =	simm.s32 $execute0_lowered;
	[smem:$0x3FD2] =	sst s25  }
0xa7: {  	s6 =	sshll.u32 s26, $0x1;
	_ =	strace $0x80000046;
	[dreg:$0x1] =	wrdreg $0xFFFFFFFF  }
0xa8: {  	s28 =	simm.s32 $_size_execute0_lowered;
	s4 =	sadd.s32 s4, s6;
	[dreg:$0x0] =	wrdreg $0x0  }
0xa9: {  	s6 =	sshll.u32 s28, $0x1;
	[dreg:$0x2] =	wrdreg s4  }
0xaa: {  	[dreg:$0x3] =	wrdreg s6  }
0xab: {  	[dreg:$0x4] =	wrdreg $0xC0  }
0xac: {  	_ =	task [dreg:s8], $0x5FFFF  }
0xad: {  	[dreg:$0x1] =	wrdreg $0xFFFFFFFF  }
0xae: {  	[dreg:$0x0] =	wrdreg $0x60  }
0xaf: {  	[dreg:$0x2] =	wrdreg s24  }
0xb0: {  	[dreg:$0x3] =	wrdreg s2  }
0xb1: {  	[dreg:$0x4] =	wrdreg s18  }
0xb2: {  	[dreg:$0x5] =	wrdreg $0x9  }
0xb3: {  	_ =	task.clear_ibuf [dreg:s8], $0x6FFFF;
	_ =	strace $0x90000046  }
0xb4: {  	s29 =	simm.s32 $0x9;
	_ =	strace $0x80000048  }
0xb5: {  	_ =	swait.ge [sflag:s29], $0x1  }
0xb6: {  	[sflag:s29] =	ssyncadd.s32 $0xFFFFFFFF  }
0xb7: {  	_ =	strace $0x90000048  }
0xb8: {  	_ =	sfence  }
0xb9: {  	s30 =	sld [smem:$0x0];
	_ =	sdelay $0x2  }
0xba: {  	s31 =	sshll.u32 s1, $0xD;
	s1 =	sshrl.u32 s1, $0x2  }
0xbb: {  	s3 =	sand.u32 $0x4000, s31;
	s1 =	sadd.s32 s1, s30  }
0xbc: {  	s0 =	sor.u32 s3, s0;
	s1 =	sshll.u32 s1, $0x11  }
0xbd: {  	s0 =	sor.u32 s1, s0  }
0xbe: {  	s0 =	sadd.s32 $0x8F2B, s0  }
0xbf: {  	[sflag:s0] =	ssyncadd.remote.s32 $0x1  }
0xc0: {  	_ =	sfence.sel $0xFFFF  }
0xc1: {  	[dreg:$0x0] =	wrdreg $0xFFFFFFFF;
	(pc) =	sbr.abs _section_cstart, $3  }
0xc2: {  	[dreg:$0x1] =	wrdreg $0xFFFFFFFF  }
0xc3: {  	_ =	task.clear_ibuf [dreg:s8], $0x2FFFF;
	_ =	strace $0x9FFFFFFF  }
0xc4: {  	(tm) =	ssettm $0x7FFFFFFF  }
0xc5: {  	_ =	shalt  }
tec
execute0_lowered:
.L_overlay_start_1:
0x0: {  	(tag) =	ssettag $0x1  }
0x1: {  	s4 =	rddreg [dreg:$0x0]  }
0x2: {  	s2 =	rddreg [dreg:$0x1]  }
0x3: {  	s1 =	srdreg.scid;
	s0 =	stileid.u32  }
0x4: {  	s8 =	rddreg [dreg:$0x2];
	s3 =	simm.s32 $0x0;
	s13 =	simm.s32 $0x6400  }
0x5: {  	s14 =	simm.s32 $0xC800;
	s15 =	simm.s32 $0x1;
	s16 =	simm.s32 $0x190  }
0x6: {  	s17 =	simm.s32 $0x12C00;
	s18 =	simm.s32 $0x2;
	s19 =	simm.s32 $0x258  }
0x7: {  	s20 =	simm.s32 $0x19000;
	s21 =	simm.s32 $0x3;
	s22 =	simm.s32 $0x5  }
0x8: {  	s23 =	simm.s32 $0x4;
	s24 =	simm.s32 $0x6;
	s25 =	simm.s32 $0x7  }
0x9: {  	s6 =	sand.u32 $0x1, s1;
	s5 =	sshll.u32 s0, $0x1;
	s31 =	smul.u32 $0xC8000, s0  }
0xa: {  	s26 =	simm.s32 $0x8;
	s5 =	sor.u32 s6, s5;
	s12 =	smul.u32 $0x64000, s6  }
0xb: {  	s28 =	simm.s32 $0x0;
	s9 =	ssub.s32 $0x2, s6;
	s7 =	smul.u32 $0x6400, s5  }
0xc: {  	[smem:$0x7FF] =	sst s3;
	s10 =	sshrl.u32 s9, $0x1;
	s11 =	smul.u32 $0x320000, s5  }
0xd: {  	_ =	strace $0x80000047;
	s5 =	smul.u32 $0x64000, s5;
	s9 =	ssub.s32 s9, s10  }
0xe: {  	s10 =	sadd.s32 s31, s8;
	s7 =	sshrl.u32 s7, $0x3;
	s30 =	sshrl.u32 s11, $0x3  }
0xf: {  	s5 =	sadd.s32 s8, s5;
	s9 =	smax.u32 s9, $0x1;
	s10 =	sadd.s32 s12, s10  }
0x10: {  	s12 =	simm.s32 $0xC8;
	s4 =	sadd.s32 s7, s4;
	s11 =	sadd.s32 s8, s30  }
0x11: {  	s6 =	sadd.s32 $0xC80, s5;
	s10 =	sadd.s32 $0x2580, s10;
	s4 =	sadd.s32 $0x400, s4  }
0x12: {  	s7 =	sadd.s32 $0x62700, s11;
	s8 =	sadd.s32 $0x63380, s11;
	s11 =	simm.s32 $0x9  }
.LBB2_1:
0x13: {  	[tilespmem:s3], [sflag:$0x9] =	stream.linear.gather [hbm4b:s4+s3], $0x6400, $0x38;
	[tilespmem:$0x1F400] =	vst v63  }
0x14: {  	_ =	swait.ge [sflag:s11], $0x6400  }
0x15: {  	[sflag:s11] =	ssyncset.done $0x0  }
0x16: {  	[sflag:s11] =	ssyncadd.s32 $0xFFFF9C00  }
0x17: {  	[tilespmem:s13], [sflag:$0x1] =	stream.indirect.gather [hbm4b:s2+s12], $0x80, s3, s12, $0xb8;
	[tilespmem:$0x1F400] =	vst v63  }
0x18: {  	_ = 	snop  }
0x19: {  	[tilespmem:s14], [sflag:$0x2] =	stream.indirect.gather [hbm4b:s2+s12], $0x80, s12, s12, $0xb8;
	[tilespmem:$0x1F400] =	vst v63  }
0x1a: {  	_ =	swait.ge [sflag:s15], $0x6400  }
0x1b: {  	[sflag:s15] =	ssyncset.done $0x0  }
0x1c: {  	[sflag:s15] =	ssyncadd.s32 $0xFFFF9C00  }
0x1d: {  	[hbm4b:s5+s3] =	stream.linear.scatter [tilespmem:s13], [sflag:$0x5], $0x6400, $0x38;
	[tilespmem:$0x1F400] =	vst v63  }
0x1e: {  	_ = 	snop  }
0x1f: {  	[tilespmem:s17], [sflag:$0x3] =	stream.indirect.gather [hbm4b:s2+s12], $0x80, s16, s12, $0xb8;
	[tilespmem:$0x1F400] =	vst v63  }
0x20: {  	_ =	swait.ge [sflag:s18], $0x6400  }
0x21: {  	[sflag:s18] =	ssyncset.done $0x0  }
0x22: {  	[sflag:s18] =	ssyncadd.s32 $0xFFFF9C00  }
0x23: {  	[hbm4b:s6+s3] =	stream.linear.scatter [tilespmem:s14], [sflag:$0x6], $0x6400, $0x38;
	[tilespmem:$0x1F400] =	vst v63  }
0x24: {  	_ = 	snop  }
0x25: {  	[tilespmem:s20], [sflag:$0x4] =	stream.indirect.gather [hbm4b:s2+s12], $0x80, s19, s12, $0xb8;
	[tilespmem:$0x1F400] =	vst v63  }
0x26: {  	_ =	swait.ge [sflag:s21], $0x6400  }
0x27: {  	[sflag:s21] =	ssyncset.done $0x0  }
0x28: {  	s29 =	sadd.s32 $0xFFFFF380, s10;
	[sflag:s21] =	ssyncadd.s32 $0xFFFF9C00  }
0x29: {  	[hbm4b:s29+s3] =	stream.linear.scatter [tilespmem:s17], [sflag:$0x7], $0x6400, $0x38;
	[tilespmem:$0x1F400] =	vst v63  }
0x2a: {  	_ =	swait.ge [sflag:s22], $0x6400  }
0x2b: {  	[sflag:s22] =	ssyncset.done $0x0  }
0x2c: {  	s29 =	simm.s32 $0x320;
	[sflag:s22] =	ssyncadd.s32 $0xFFFF9C00  }
0x2d: {  	[tilespmem:s13], [sflag:$0x1] =	stream.indirect.gather [hbm4b:s2+s12], $0x80, s29, s12, $0xb8;
	[tilespmem:$0x1F400] =	vst v63  }
0x2e: {  	_ =	swait.ge [sflag:s23], $0x6400  }
0x2f: {  	[sflag:s23] =	ssyncset.done $0x0  }
0x30: {  	[sflag:s23] =	ssyncadd.s32 $0xFFFF9C00  }
0x31: {  	[hbm4b:s10+s3] =	stream.linear.scatter [tilespmem:s20], [sflag:$0x8], $0x6400, $0x38;
	[tilespmem:$0x1F400] =	vst v63  }
0x32: {  	_ =	swait.ge [sflag:s24], $0x6400  }
0x33: {  	[sflag:s24] =	ssyncset.done $0x0  }
0x34: {  	s29 =	simm.s32 $0x3E8;
	[sflag:s24] =	ssyncadd.s32 $0xFFFF9C00  }
0x35: {  	[tilespmem:s14], [sflag:$0x2] =	stream.indirect.gather [hbm4b:s2+s12], $0x80, s29, s12, $0xb8;
	[tilespmem:$0x1F400] =	vst v63  }
0x36: {  	_ =	swait.ge [sflag:s15], $0x6400  }
0x37: {  	[sflag:s15] =	ssyncset.done $0x0  }
0x38: {  	s29 =	sadd.s32 $0xC80, s10;
	[sflag:s15] =	ssyncadd.s32 $0xFFFF9C00  }
0x39: {  	[hbm4b:s29+s3] =	stream.linear.scatter [tilespmem:s13], [sflag:$0x5], $0x6400, $0x38;
	[tilespmem:$0x1F400] =	vst v63  }
0x3a: {  	_ =	swait.ge [sflag:s25], $0x6400  }
0x3b: {  	[sflag:s25] =	ssyncset.done $0x0  }
0x3c: {  	s29 =	simm.s32 $0x4B0;
	[sflag:s25] =	ssyncadd.s32 $0xFFFF9C00  }
0x3d: {  	[tilespmem:s17], [sflag:$0x3] =	stream.indirect.gather [hbm4b:s2+s12], $0x80, s29, s12, $0xb8;
	[tilespmem:$0x1F400] =	vst v63  }
0x3e: {  	_ =	swait.ge [sflag:s18], $0x6400  }
0x3f: {  	[sflag:s18] =	ssyncset.done $0x0  }
0x40: {  	s29 =	sadd.s32 $0x1900, s10;
	[sflag:s18] =	ssyncadd.s32 $0xFFFF9C00  }
0x41: {  	[hbm4b:s29+s3] =	stream.linear.scatter [tilespmem:s14], [sflag:$0x6], $0x6400, $0x38;
	[tilespmem:$0x1F400] =	vst v63  }
0x42: {  	_ =	swait.ge [sflag:s26], $0x6400  }
0x43: {  	s31 =	simm.s32 $0x578;
	[sflag:s26] =	ssyncset.done $0x0  }
0x44: {  	s30 =	sadd.s32 $0x3200, s10;
	s29 =	simm.s32 $0xC80;
	[sflag:s26] =	ssyncadd.s32 $0xFFFF9C00  }
.LBB2_2:
0x45: {  	[tilespmem:s20], [sflag:$0x4] =	stream.indirect.gather [hbm4b:s2+s12], $0x80, s31, s12, $0xb8;
	[tilespmem:$0x1F400] =	vst v63  }
0x46: {  	s31 =	smov.u32 s29  }
0x47: {  	p0 =	sne.s32 s29, $0x17700;
	s29 =	sadd.s32 $0xC80, s29;
	_ =	swait.ge [sflag:s21], $0x6400  }
0x48: {  	[sflag:s21] =	ssyncset.done $0x0  }
0x49: {  	s1 =	sadd.s32 $0xFFFFF380, s30;
	[sflag:s21] =	ssyncadd.s32 $0xFFFF9C00  }
0x4a: {  	[hbm4b:s1+s3] =	stream.linear.scatter [tilespmem:s17], [sflag:$0x7], $0x6400, $0x38;
	[tilespmem:$0x1F400] =	vst v63  }
0x4b: {  	_ =	swait.ge [sflag:s22], $0x6400  }
0x4c: {  	s1 =	sshra.s32 s31, $0x2;
	[sflag:s22] =	ssyncset.done $0x0  }
0x4d: {  	s31 =	sadd.s32 $0x320, s1;
	[sflag:s22] =	ssyncadd.s32 $0xFFFF9C00  }
0x4e: {  	[tilespmem:s13], [sflag:$0x1] =	stream.indirect.gather [hbm4b:s2+s12], $0x80, s31, s12, $0xb8;
	[tilespmem:$0x1F400] =	vst v63  }
0x4f: {  	_ =	swait.ge [sflag:s23], $0x6400  }
0x50: {  	[sflag:s23] =	ssyncset.done $0x0  }
0x51: {  	[sflag:s23] =	ssyncadd.s32 $0xFFFF9C00  }
0x52: {  	[hbm4b:s30+s3] =	stream.linear.scatter [tilespmem:s20], [sflag:$0x8], $0x6400, $0x38;
	[tilespmem:$0x1F400] =	vst v63  }
0x53: {  	_ =	swait.ge [sflag:s24], $0x6400  }
0x54: {  	[sflag:s24] =	ssyncset.done $0x0  }
0x55: {  	s31 =	sadd.s32 $0x3E8, s1;
	[sflag:s24] =	ssyncadd.s32 $0xFFFF9C00  }
0x56: {  	[tilespmem:s14], [sflag:$0x2] =	stream.indirect.gather [hbm4b:s2+s12], $0x80, s31, s12, $0xb8;
	[tilespmem:$0x1F400] =	vst v63  }
0x57: {  	_ =	swait.ge [sflag:s15], $0x6400  }
0x58: {  	[sflag:s15] =	ssyncset.done $0x0  }
0x59: {  	s31 =	sadd.s32 $0xC80, s30;
	[sflag:s15] =	ssyncadd.s32 $0xFFFF9C00  }
0x5a: {  	[hbm4b:s31+s3] =	stream.linear.scatter [tilespmem:s13], [sflag:$0x5], $0x6400, $0x38;
	[tilespmem:$0x1F400] =	vst v63  }
0x5b: {  	_ =	swait.ge [sflag:s25], $0x6400  }
0x5c: {  	[sflag:s25] =	ssyncset.done $0x0  }
0x5d: {  	s31 =	sadd.s32 $0x4B0, s1;
	[sflag:s25] =	ssyncadd.s32 $0xFFFF9C00  }
0x5e: {  	[tilespmem:s17], [sflag:$0x3] =	stream.indirect.gather [hbm4b:s2+s12], $0x80, s31, s12, $0xb8;
	[tilespmem:$0x1F400] =	vst v63  }
0x5f: {  	_ =	swait.ge [sflag:s18], $0x6400  }
0x60: {  	[sflag:s18] =	ssyncset.done $0x0  }
.Ltmp0:
0x61: {  	s31 =	sadd.s32 $0x1900, s30;
	[sflag:s18] =	ssyncadd.s32 $0xFFFF9C00;
	(pc) =	sbr.rel @p0 .LBB2_2-.Ltmp0, $4  }
0x62: {  	[hbm4b:s31+s3] =	stream.linear.scatter [tilespmem:s14], [sflag:$0x6], $0x6400, $0x38;
	[tilespmem:$0x1F400] =	vst v63  }
0x63: {  	_ =	swait.ge [sflag:s26], $0x6400  }
0x64: {  	[sflag:s26] =	ssyncset.done $0x0  }
0x65: {  	s30 =	sadd.s32 $0x3200, s30;
	s31 =	sadd.s32 $0x578, s1;
	[sflag:s26] =	ssyncadd.s32 $0xFFFF9C00  }
0x66: {  	[tilespmem:s20], [sflag:$0x4] =	stream.indirect.gather [hbm4b:s2+s12], $0x80, s31, s12, $0xb8;
	[tilespmem:$0x1F400] =	vst v63  }
0x67: {  	_ =	swait.ge [sflag:s21], $0x6400  }
0x68: {  	[sflag:s21] =	ssyncset.done $0x0  }
0x69: {  	[sflag:s21] =	ssyncadd.s32 $0xFFFF9C00  }
0x6a: {  	[hbm4b:s7+s3] =	stream.linear.scatter [tilespmem:s17], [sflag:$0x7], $0x6400, $0x38;
	[tilespmem:$0x1F400] =	vst v63  }
0x6b: {  	_ =	swait.ge [sflag:s22], $0x6400  }
0x6c: {  	[sflag:s22] =	ssyncset.done $0x0  }
0x6d: {  	[sflag:s22] =	ssyncadd.s32 $0xFFFF9C00  }
0x6e: {  	_ =	swait.ge [sflag:s23], $0x6400  }
0x6f: {  	[sflag:s23] =	ssyncset.done $0x0  }
0x70: {  	[sflag:s23] =	ssyncadd.s32 $0xFFFF9C00  }
0x71: {  	[hbm4b:s8+s3] =	stream.linear.scatter [tilespmem:s20], [sflag:$0x8], $0x6400, $0x38;
	[tilespmem:$0x1F400] =	vst v63  }
0x72: {  	_ =	swait.ge [sflag:s24], $0x6400  }
0x73: {  	[sflag:s24] =	ssyncset.done $0x0  }
0x74: {  	s28 =	sadd.s32 $0x1, s28;
	[sflag:s24] =	ssyncadd.s32 $0xFFFF9C00  }
0x75: {  	p0 =	sne.s32 s28, s9;
	_ =	swait.ge [sflag:s25], $0x6400  }
.Ltmp1:
0x76: {  	[sflag:s25] =	ssyncset.done $0x0;
	(pc) =	sbr.rel @p0 .LBB2_1-.Ltmp1, $4  }
0x77: {  	[sflag:s25] =	ssyncadd.s32 $0xFFFF9C00  }
0x78: {  	_ =	swait.ge [sflag:s26], $0x6400  }
0x79: {  	[sflag:s26] =	ssyncset.done $0x0  }
0x7a: {  	[sflag:s26] =	ssyncadd.s32 $0xFFFF9C00  }
0x7b: {  	_ =	sfence.sel $0x180000  }
0x7c: {  	[bflag:$0x0] =	sbarrier.arrive $0xFFFF  }
0x7d: {  	_ =	strace $0x90000047  }
0x7e: {  	[bflag:$0x2] =	sbarrier.arrive $0xFFFF  }
0x7f: {  	p0 =	sne.s32 s0, $0x0;
	s0 =	rddreg [dreg:$0x3]  }
0x80: {  	s0 =	sadd.s32 @!p0 $0x100000, s0  }
0x81: {  	[sflag:s0] =	ssyncadd.tile.s32 @!p0 $0x1;
	_ =	shalt  }
.Lfunc_end2:
_tile_overlayer_lowered:
.L_overlay_start_2:
0x82: {  	(tag) =	ssettag $0x2  }
0x83: {  	s0 =	rddreg [dreg:$0x0];
	s2 =	stileid.u32  }
0x84: {  	s1 =	rddreg [dreg:$0x1];
	p0 =	sne.s32 s2, $0x0  }
0x85: {  	s3 =	rddreg [dreg:$0x2];
	[bflag:$0x3] =	sbarrier.arrive $0xFFFF;
	s2 =	simm.s32 @!p0 $0x1C09  }
0x86: {  	[timem:s3], [sflag:s2] =	dma.local @!p0 [hbm:s0], s1  }
0x87: {  	s0 =	simm.s32 @!p0 $0x9  }
0x88: {  	_ =	swait.ge @!p0 [sflag:s0], s1  }
0x89: {  	s1 =	ssub.s32 @!p0 $0x0, s1;
	[sflag:s0] =	ssyncset.done @!p0 $0x0  }
0x8a: {  	[sflag:s0] =	ssyncadd.s32 @!p0 s1  }
0x8b: {  	[bflag:$0x3] =	sbarrier.arrive $0xFFFF  }
0x8c: {  	_ =	shalt  }

</sc_bundles>
